<compile_context>
chip_gen: v7x
topology: tpu7x:2x2x1
jax: 0.10.2.dev20260603
libtpu: 0.0.44.dev20260713+nightly
codegen_flags: <defaults>
</compile_context>

<pallas_src>
import functools

import jax
import jax.numpy as jnp
from jax import lax
from jax.experimental import pallas as pl
from jax.experimental.pallas import tpu as pltpu
from jax.experimental.pallas import tpu_sc as plsc

N_ROWS = 1000000
B = 16384
D = 32
BLK = 128
W = 4
NBUF = 3
L = 16
NC, NS = 2, 16
NW = NC * NS
BPW = B // NW
NWAVE = BPW // W
PAD = L

_mesh = plsc.VectorSubcoreMesh(core_axis_name="c", subcore_axis_name="s")


@functools.partial(
    pl.kernel,
    mesh=_mesh,
    out_type=jax.ShapeDtypeStruct((B,), jnp.float32),
    scratch_types=[
        pltpu.VMEM((BPW + PAD,), jnp.int32),
        pltpu.VMEM((BPW + PAD,), jnp.int32),
        pltpu.VMEM((NBUF, W, D, BLK), jnp.float32),
        pltpu.VMEM((NBUF, W, D, BLK), jnp.float32),
        pltpu.VMEM((BPW + PAD,), jnp.float32),
        pltpu.SemaphoreType.DMA,
        pltpu.SemaphoreType.DMA,
    ],
    compiler_params=pltpu.CompilerParams(
        needs_layout_passes=False, disable_bounds_checks=True
    ),
)
def _mf_sc(uid_hbm, iid_hbm, ut_hbm, it_hbm, out_hbm,
           uidx, iidx, ublk, iblk, outv, sem_u, sem_i):
    wid = lax.axis_index("s") * NC + lax.axis_index("c")
    base = wid * BPW
    pltpu.sync_copy(uid_hbm.at[pl.ds(base, BPW)], uidx.at[pl.ds(0, BPW)])
    pltpu.sync_copy(iid_hbm.at[pl.ds(base, BPW)], iidx.at[pl.ds(0, BPW)])

    lanes = lax.iota(jnp.int32, L)
    t_sel = lax.bitwise_and(lanes, jnp.int32(W - 1))
    lo_mask = lanes < W

    def fire(w):
        buf = lax.rem(w, NBUF)
        uv = uidx[pl.ds(w * W, L)]
        iv = iidx[pl.ds(w * W, L)]
        for t in range(W):
            ub = lax.shift_right_logical(uv[t], 7)
            ib = lax.shift_right_logical(iv[t], 7)
            pltpu.async_copy(
                ut_hbm.at[:, pl.ds(pl.multiple_of(ub * BLK, BLK), BLK)],
                ublk.at[buf, t], sem_u)
            pltpu.async_copy(
                it_hbm.at[:, pl.ds(pl.multiple_of(ib * BLK, BLK), BLK)],
                iblk.at[buf, t], sem_i)

    fire(jnp.int32(0))
    fire(jnp.int32(1))

    def wave(w, carry):
        @pl.when(w + 2 < NWAVE)
        def _():
            fire(w + 2)

        buf = lax.rem(w, NBUF)
        for t in range(W):
            pltpu.make_async_copy(
                ut_hbm.at[:, pl.ds(0, BLK)], ublk.at[buf, t], sem_u).wait()
            pltpu.make_async_copy(
                it_hbm.at[:, pl.ds(0, BLK)], iblk.at[buf, t], sem_i).wait()

        uv = uidx[pl.ds(w * W, L)]
        iv = iidx[pl.ds(w * W, L)]
        um = lax.bitwise_and(uv, jnp.int32(BLK - 1))
        im = lax.bitwise_and(iv, jnp.int32(BLK - 1))
        ub = ublk.at[buf]
        ib = iblk.at[buf]
        acc = jnp.zeros((L,), jnp.float32)
        for dd in range(D):
            dv = jnp.full((L,), dd, jnp.int32)
            ue = plsc.load_gather(ub, [t_sel, dv, um])
            ie = plsc.load_gather(ib, [t_sel, dv, im])
            acc = acc + ue * ie
        plsc.store_compressed(outv.at[pl.ds(w * W, L)], acc, mask=lo_mask)
        return carry

    lax.fori_loop(0, NWAVE, wave, 0, unroll=False)
    pltpu.sync_copy(outv.at[pl.ds(0, BPW)], out_hbm.at[pl.ds(base, BPW)])


def kernel(user_id, item_id, user_table, item_table):
    return _mf_sc(user_id.astype(jnp.int32), item_id.astype(jnp.int32),
                  user_table.T, item_table.T)

# --- scband reference (transcript-rebuilt; emitter-appended) ---
"""Pipeline reference for scband-mf-41755672051862 (READ-ONLY COPY).

The authoritative reference and input builder live on the scoring server;
editing this copy changes nothing except your own understanding.
"""

import jax, jax.numpy as jnp
import numpy as np

NUM_USERS = 1000000
NUM_ITEMS = 1000000
LATENT_DIM = 32
BATCH = 16384

def setup_inputs(seed: int = 0) -> dict:
    key = jax.random.key(seed)
    k1, k2, k3, k4 = jax.random.split(key, 4)
    user_id = jax.random.randint(k1, (BATCH,), 0, NUM_USERS, dtype=jnp.int64 if jax.config.jax_enable_x64 else jnp.int32)
    item_id = jax.random.randint(k2, (BATCH,), 0, NUM_ITEMS, dtype=jnp.int64 if jax.config.jax_enable_x64 else jnp.int32)
    user_table = jax.random.normal(k3, (NUM_USERS, LATENT_DIM), dtype=jnp.float32)
    item_table = jax.random.normal(k4, (NUM_ITEMS, LATENT_DIM), dtype=jnp.float32)
    return {"user_id": user_id, "item_id": item_id, "user_table": user_table, "item_table": item_table}

def reference(user_id, item_id, user_table, item_table):
    user_emb = jnp.take(user_table, user_id, axis=0)
    item_emb = jnp.take(item_table, item_id, axis=0)
    return jnp.sum(user_emb * item_emb, axis=-1)

if __name__ == "__main__":
    import jax
    _d = setup_inputs()
    print(jax.jit(kernel)(*tuple(_d.values())))

</pallas_src>

<mosaic_0001>
#map = affine_map<(d0, d1) -> (0)>
#map1 = affine_map<(d0, d1) -> (0, 0)>
module attributes {stable_mosaic.version = 14 : i64} {
  func.func @_mf_sc(%arg0: i32, %arg1: i32, %arg2: memref<16384xi32, #tpu.memory_space<hbm>>, %arg3: memref<16384xi32, #tpu.memory_space<hbm>>, %arg4: memref<32x1000000xf32, #tpu.memory_space<hbm>>, %arg5: memref<32x1000000xf32, #tpu.memory_space<hbm>>, %arg6: memref<16384xf32, #tpu.memory_space<hbm>>, %arg7: memref<528xi32, #tpu.memory_space<vmem>>, %arg8: memref<528xi32, #tpu.memory_space<vmem>>, %arg9: memref<3x4x32x128xf32, #tpu.memory_space<vmem>>, %arg10: memref<3x4x32x128xf32, #tpu.memory_space<vmem>>, %arg11: memref<528xf32, #tpu.memory_space<vmem>>, %arg12: memref<!tpu.dma_semaphore, #tpu.memory_space<semaphore_mem>>, %arg13: memref<!tpu.dma_semaphore, #tpu.memory_space<semaphore_mem>>) attributes {dimension_semantics = [#tpu.dimension_semantics<core_parallel>, #tpu.dimension_semantics<subcore_parallel>], iteration_bounds = array<i64: 2, 16>, scalar_prefetch = 0 : i64, scratch_operands = 7 : i64, tpu.core_type = #tpu.core_type<sc_vector_subcore>, window_params = [{transform_indices = #map}, {transform_indices = #map}, {transform_indices = #map1}, {transform_indices = #map1}, {transform_indices = #map}]} {
    %mul3A = arith.constant 2 : i32
    %mul3A_0 = arith.muli %arg1, %mul3A : i32
    %add3A = arith.addi %mul3A_0, %arg0 : i32
    %mul3A_1 = arith.constant 512 : i32
    %mul3A_2 = arith.muli %add3A, %mul3A_1 : i32
    "tpu.region"() ({
      %run_scoped3A = tpu.sem_alloc : memref<!tpu.dma_semaphore, #tpu.memory_space<semaphore_mem>>
      %dma_start3A_351 = arith.constant 0 : i32
      %dma_start3A_352 = tpu.memref_slice %arg7[%dma_start3A_351] : memref<528xi32, #tpu.memory_space<vmem>> -> memref<512xi32, #tpu.memory_space<vmem>>
      %dma_start3A_353 = tpu.memref_slice %arg2[%mul3A_2] : memref<16384xi32, #tpu.memory_space<hbm>> -> memref<512xi32, #tpu.memory_space<hbm>>
      %dma_start3A_354 = arith.constant 0 : i32
      %dma_start3A_355 = tpu.memref_slice %arg7[%dma_start3A_354] : memref<528xi32, #tpu.memory_space<vmem>> -> memref<512xi32, #tpu.memory_space<vmem>>
      %dma_start3A_356 = tpu.memref_slice %arg2[%mul3A_2] : memref<16384xi32, #tpu.memory_space<hbm>> -> memref<512xi32, #tpu.memory_space<hbm>>
      tpu.enqueue_dma source(%dma_start3A_356 : memref<512xi32, #tpu.memory_space<hbm>>) target(%dma_start3A_355 : memref<512xi32, #tpu.memory_space<vmem>>) target_semaphore(%run_scoped3A : memref<!tpu.dma_semaphore, #tpu.memory_space<semaphore_mem>>)
      %dma_wait3A = arith.constant 0 : i32
      %dma_wait3A_357 = tpu.memref_slice %arg7[%dma_wait3A] : memref<528xi32, #tpu.memory_space<vmem>> -> memref<512xi32, #tpu.memory_space<vmem>>
      %dma_wait3A_358 = tpu.memref_slice %arg2[%mul3A_2] : memref<16384xi32, #tpu.memory_space<hbm>> -> memref<512xi32, #tpu.memory_space<hbm>>
      %dma_wait3A_359 = arith.constant 0 : i32
      %dma_wait3A_360 = tpu.memref_slice %arg7[%dma_wait3A_359] : memref<528xi32, #tpu.memory_space<vmem>> -> memref<512xi32, #tpu.memory_space<vmem>>
      %dma_wait3A_361 = tpu.memref_slice %arg2[%mul3A_2] : memref<16384xi32, #tpu.memory_space<hbm>> -> memref<512xi32, #tpu.memory_space<hbm>>
      tpu.wait_dma2 semaphore(%run_scoped3A : memref<!tpu.dma_semaphore, #tpu.memory_space<semaphore_mem>>) src(%dma_wait3A_361 : memref<512xi32, #tpu.memory_space<hbm>>) dst(%dma_wait3A_360 : memref<512xi32, #tpu.memory_space<vmem>>)
      tpu.yield
    }) : () -> ()
    "tpu.region"() ({
      %run_scoped3A = tpu.sem_alloc : memref<!tpu.dma_semaphore, #tpu.memory_space<semaphore_mem>>
      %dma_start3A_351 = arith.constant 0 : i32
      %dma_start3A_352 = tpu.memref_slice %arg8[%dma_start3A_351] : memref<528xi32, #tpu.memory_space<vmem>> -> memref<512xi32, #tpu.memory_space<vmem>>
      %dma_start3A_353 = tpu.memref_slice %arg3[%mul3A_2] : memref<16384xi32, #tpu.memory_space<hbm>> -> memref<512xi32, #tpu.memory_space<hbm>>
      %dma_start3A_354 = arith.constant 0 : i32
      %dma_start3A_355 = tpu.memref_slice %arg8[%dma_start3A_354] : memref<528xi32, #tpu.memory_space<vmem>> -> memref<512xi32, #tpu.memory_space<vmem>>
      %dma_start3A_356 = tpu.memref_slice %arg3[%mul3A_2] : memref<16384xi32, #tpu.memory_space<hbm>> -> memref<512xi32, #tpu.memory_space<hbm>>
      tpu.enqueue_dma source(%dma_start3A_356 : memref<512xi32, #tpu.memory_space<hbm>>) target(%dma_start3A_355 : memref<512xi32, #tpu.memory_space<vmem>>) target_semaphore(%run_scoped3A : memref<!tpu.dma_semaphore, #tpu.memory_space<semaphore_mem>>)
      %dma_wait3A = arith.constant 0 : i32
      %dma_wait3A_357 = tpu.memref_slice %arg8[%dma_wait3A] : memref<528xi32, #tpu.memory_space<vmem>> -> memref<512xi32, #tpu.memory_space<vmem>>
      %dma_wait3A_358 = tpu.memref_slice %arg3[%mul3A_2] : memref<16384xi32, #tpu.memory_space<hbm>> -> memref<512xi32, #tpu.memory_space<hbm>>
      %dma_wait3A_359 = arith.constant 0 : i32
      %dma_wait3A_360 = tpu.memref_slice %arg8[%dma_wait3A_359] : memref<528xi32, #tpu.memory_space<vmem>> -> memref<512xi32, #tpu.memory_space<vmem>>
      %dma_wait3A_361 = tpu.memref_slice %arg3[%mul3A_2] : memref<16384xi32, #tpu.memory_space<hbm>> -> memref<512xi32, #tpu.memory_space<hbm>>
      tpu.wait_dma2 semaphore(%run_scoped3A : memref<!tpu.dma_semaphore, #tpu.memory_space<semaphore_mem>>) src(%dma_wait3A_361 : memref<512xi32, #tpu.memory_space<hbm>>) dst(%dma_wait3A_360 : memref<512xi32, #tpu.memory_space<vmem>>)
      tpu.yield
    }) : () -> ()
    %iota3A = tpu.iota {dimensions = array<i32: 0>} : vector<16xi32>
    %and3A = arith.constant 3 : i32
    %and3A_3 = vector.broadcast %and3A : i32 to vector<16xi32>
    %and3A_4 = arith.andi %iota3A, %and3A_3 : vector<16xi32>
    %lt3A = arith.constant 4 : i32
    %lt3A_5 = vector.broadcast %lt3A : i32 to vector<16xi32>
    %lt3A_6 = arith.cmpi slt, %iota3A, %lt3A_5 : vector<16xi32>
    %rem3A = arith.constant 0 : i32
    %rem3A_7 = arith.constant 3 : i32
    %rem3A_8 = arith.remsi %rem3A, %rem3A_7 : i32
    %mul3A_9 = arith.constant 0 : i32
    %mul3A_10 = arith.constant 4 : i32
    %mul3A_11 = arith.muli %mul3A_9, %mul3A_10 : i32
    %get3A = arith.index_cast %mul3A_11 : i32 to index
    %get3A_12 = tpu.vector_load %arg7[%get3A] {strides = array<i32>} : memref<528xi32, #tpu.memory_space<vmem>>, vector<16xi32>,
    %mul3A_13 = arith.constant 0 : i32
    %mul3A_14 = arith.constant 4 : i32
    %mul3A_15 = arith.muli %mul3A_13, %mul3A_14 : i32
    %get3A_16 = arith.index_cast %mul3A_15 : i32 to index
    %get3A_17 = tpu.vector_load %arg8[%get3A_16] {strides = array<i32>} : memref<528xi32, #tpu.memory_space<vmem>>, vector<16xi32>,
    %slice3A = vector.extract_strided_slice %get3A_12 {offsets = [0], sizes = [1], strides = [1]} : vector<16xi32> to vector<1xi32>
    %squeeze3A = vector.extract %slice3A[0] : i32 from vector<1xi32>
    %shift_right_logical3A = arith.constant 7 : i32
    %shift_right_logical3A_18 = arith.shrui %squeeze3A, %shift_right_logical3A : i32
    %slice3A_19 = vector.extract_strided_slice %get3A_17 {offsets = [0], sizes = [1], strides = [1]} : vector<16xi32> to vector<1xi32>
    %squeeze3A_20 = vector.extract %slice3A_19[0] : i32 from vector<1xi32>
    %shift_right_logical3A_21 = arith.constant 7 : i32
    %shift_right_logical3A_22 = arith.shrui %squeeze3A_20, %shift_right_logical3A_21 : i32
    %mul3A_23 = arith.constant 128 : i32
    %mul3A_24 = arith.muli %shift_right_logical3A_18, %mul3A_23 : i32
    %multiple_of3A = tpu.assume_multiple %mul3A_24, 128 : i32
    %dma_start3A = arith.constant 0 : i32
    %dma_start3A_25 = arith.constant 0 : i32
    %dma_start3A_26 = arith.constant 0 : i32
    %dma_start3A_27 = tpu.memref_slice %arg9[%rem3A_8, %dma_start3A, %dma_start3A_25, %dma_start3A_26] : memref<3x4x32x128xf32, #tpu.memory_space<vmem>> -> memref<1x1x32x128xf32, #tpu.memory_space<vmem>>
    %dma_start3A_28 = tpu.memref_squeeze %dma_start3A_27 : memref<1x1x32x128xf32, #tpu.memory_space<vmem>> -> memref<32x128xf32, #tpu.memory_space<vmem>>
    %dma_start3A_29 = arith.constant 0 : i32
    %dma_start3A_30 = tpu.memref_slice %arg4[%dma_start3A_29, %multiple_of3A] : memref<32x1000000xf32, #tpu.memory_space<hbm>> -> memref<32x128xf32, #tpu.memory_space<hbm>>
    %dma_start3A_31 = arith.constant 0 : i32
    %dma_start3A_32 = arith.constant 0 : i32
    %dma_start3A_33 = tpu.memref_slice %arg9[%rem3A_8, %dma_start3A, %dma_start3A_31, %dma_start3A_32] : memref<3x4x32x128xf32, #tpu.memory_space<vmem>> -> memref<1x1x32x128xf32, #tpu.memory_space<vmem>>
    %dma_start3A_34 = tpu.memref_squeeze %dma_start3A_33 : memref<1x1x32x128xf32, #tpu.memory_space<vmem>> -> memref<32x128xf32, #tpu.memory_space<vmem>>
    %dma_start3A_35 = arith.constant 0 : i32
    %dma_start3A_36 = tpu.memref_slice %arg4[%dma_start3A_35, %multiple_of3A] : memref<32x1000000xf32, #tpu.memory_space<hbm>> -> memref<32x128xf32, #tpu.memory_space<hbm>>
    tpu.enqueue_dma source(%dma_start3A_36 : memref<32x128xf32, #tpu.memory_space<hbm>>) target(%dma_start3A_34 : memref<32x128xf32, #tpu.memory_space<vmem>>) target_semaphore(%arg12 : memref<!tpu.dma_semaphore, #tpu.memory_space<semaphore_mem>>)
    %mul3A_37 = arith.constant 128 : i32
    %mul3A_38 = arith.muli %shift_right_logical3A_22, %mul3A_37 : i32
    %multiple_of3A_39 = tpu.assume_multiple %mul3A_38, 128 : i32
    %dma_start3A_40 = arith.constant 0 : i32
    %dma_start3A_41 = arith.constant 0 : i32
    %dma_start3A_42 = arith.constant 0 : i32
    %dma_start3A_43 = tpu.memref_slice %arg10[%rem3A_8, %dma_start3A_40, %dma_start3A_41, %dma_start3A_42] : memref<3x4x32x128xf32, #tpu.memory_space<vmem>> -> memref<1x1x32x128xf32, #tpu.memory_space<vmem>>
    %dma_start3A_44 = tpu.memref_squeeze %dma_start3A_43 : memref<1x1x32x128xf32, #tpu.memory_space<vmem>> -> memref<32x128xf32, #tpu.memory_space<vmem>>
    %dma_start3A_45 = arith.constant 0 : i32
    %dma_start3A_46 = tpu.memref_slice %arg5[%dma_start3A_45, %multiple_of3A_39] : memref<32x1000000xf32, #tpu.memory_space<hbm>> -> memref<32x128xf32, #tpu.memory_space<hbm>>
    %dma_start3A_47 = arith.constant 0 : i32
    %dma_start3A_48 = arith.constant 0 : i32
    %dma_start3A_49 = tpu.memref_slice %arg10[%rem3A_8, %dma_start3A_40, %dma_start3A_47, %dma_start3A_48] : memref<3x4x32x128xf32, #tpu.memory_space<vmem>> -> memref<1x1x32x128xf32, #tpu.memory_space<vmem>>
    %dma_start3A_50 = tpu.memref_squeeze %dma_start3A_49 : memref<1x1x32x128xf32, #tpu.memory_space<vmem>> -> memref<32x128xf32, #tpu.memory_space<vmem>>
    %dma_start3A_51 = arith.constant 0 : i32
    %dma_start3A_52 = tpu.memref_slice %arg5[%dma_start3A_51, %multiple_of3A_39] : memref<32x1000000xf32, #tpu.memory_space<hbm>> -> memref<32x128xf32, #tpu.memory_space<hbm>>
    tpu.enqueue_dma source(%dma_start3A_52 : memref<32x128xf32, #tpu.memory_space<hbm>>) target(%dma_start3A_50 : memref<32x128xf32, #tpu.memory_space<vmem>>) target_semaphore(%arg13 : memref<!tpu.dma_semaphore, #tpu.memory_space<semaphore_mem>>)
    %slice3A_53 = vector.extract_strided_slice %get3A_12 {offsets = [1], sizes = [1], strides = [1]} : vector<16xi32> to vector<1xi32>
    %squeeze3A_54 = vector.extract %slice3A_53[0] : i32 from vector<1xi32>
    %shift_right_logical3A_55 = arith.constant 7 : i32
    %shift_right_logical3A_56 = arith.shrui %squeeze3A_54, %shift_right_logical3A_55 : i32
    %slice3A_57 = vector.extract_strided_slice %get3A_17 {offsets = [1], sizes = [1], strides = [1]} : vector<16xi32> to vector<1xi32>
    %squeeze3A_58 = vector.extract %slice3A_57[0] : i32 from vector<1xi32>
    %shift_right_logical3A_59 = arith.constant 7 : i32
    %shift_right_logical3A_60 = arith.shrui %squeeze3A_58, %shift_right_logical3A_59 : i32
    %mul3A_61 = arith.constant 128 : i32
    %mul3A_62 = arith.muli %shift_right_logical3A_56, %mul3A_61 : i32
    %multiple_of3A_63 = tpu.assume_multiple %mul3A_62, 128 : i32
    %dma_start3A_64 = arith.constant 1 : i32
    %dma_start3A_65 = arith.constant 0 : i32
    %dma_start3A_66 = arith.constant 0 : i32
    %dma_start3A_67 = tpu.memref_slice %arg9[%rem3A_8, %dma_start3A_64, %dma_start3A_65, %dma_start3A_66] : memref<3x4x32x128xf32, #tpu.memory_space<vmem>> -> memref<1x1x32x128xf32, #tpu.memory_space<vmem>>
    %dma_start3A_68 = tpu.memref_squeeze %dma_start3A_67 : memref<1x1x32x128xf32, #tpu.memory_space<vmem>> -> memref<32x128xf32, #tpu.memory_space<vmem>>
    %dma_start3A_69 = arith.constant 0 : i32
    %dma_start3A_70 = tpu.memref_slice %arg4[%dma_start3A_69, %multiple_of3A_63] : memref<32x1000000xf32, #tpu.memory_space<hbm>> -> memref<32x128xf32, #tpu.memory_space<hbm>>
    %dma_start3A_71 = arith.constant 0 : i32
    %dma_start3A_72 = arith.constant 0 : i32
    %dma_start3A_73 = tpu.memref_slice %arg9[%rem3A_8, %dma_start3A_64, %dma_start3A_71, %dma_start3A_72] : memref<3x4x32x128xf32, #tpu.memory_space<vmem>> -> memref<1x1x32x128xf32, #tpu.memory_space<vmem>>
    %dma_start3A_74 = tpu.memref_squeeze %dma_start3A_73 : memref<1x1x32x128xf32, #tpu.memory_space<vmem>> -> memref<32x128xf32, #tpu.memory_space<vmem>>
    %dma_start3A_75 = arith.constant 0 : i32
    %dma_start3A_76 = tpu.memref_slice %arg4[%dma_start3A_75, %multiple_of3A_63] : memref<32x1000000xf32, #tpu.memory_space<hbm>> -> memref<32x128xf32, #tpu.memory_space<hbm>>
    tpu.enqueue_dma source(%dma_start3A_76 : memref<32x128xf32, #tpu.memory_space<hbm>>) target(%dma_start3A_74 : memref<32x128xf32, #tpu.memory_space<vmem>>) target_semaphore(%arg12 : memref<!tpu.dma_semaphore, #tpu.memory_space<semaphore_mem>>)
    %mul3A_77 = arith.constant 128 : i32
    %mul3A_78 = arith.muli %shift_right_logical3A_60, %mul3A_77 : i32
    %multiple_of3A_79 = tpu.assume_multiple %mul3A_78, 128 : i32
    %dma_start3A_80 = arith.constant 1 : i32
    %dma_start3A_81 = arith.constant 0 : i32
    %dma_start3A_82 = arith.constant 0 : i32
    %dma_start3A_83 = tpu.memref_slice %arg10[%rem3A_8, %dma_start3A_80, %dma_start3A_81, %dma_start3A_82] : memref<3x4x32x128xf32, #tpu.memory_space<vmem>> -> memref<1x1x32x128xf32, #tpu.memory_space<vmem>>
    %dma_start3A_84 = tpu.memref_squeeze %dma_start3A_83 : memref<1x1x32x128xf32, #tpu.memory_space<vmem>> -> memref<32x128xf32, #tpu.memory_space<vmem>>
    %dma_start3A_85 = arith.constant 0 : i32
    %dma_start3A_86 = tpu.memref_slice %arg5[%dma_start3A_85, %multiple_of3A_79] : memref<32x1000000xf32, #tpu.memory_space<hbm>> -> memref<32x128xf32, #tpu.memory_space<hbm>>
    %dma_start3A_87 = arith.constant 0 : i32
    %dma_start3A_88 = arith.constant 0 : i32
    %dma_start3A_89 = tpu.memref_slice %arg10[%rem3A_8, %dma_start3A_80, %dma_start3A_87, %dma_start3A_88] : memref<3x4x32x128xf32, #tpu.memory_space<vmem>> -> memref<1x1x32x128xf32, #tpu.memory_space<vmem>>
    %dma_start3A_90 = tpu.memref_squeeze %dma_start3A_89 : memref<1x1x32x128xf32, #tpu.memory_space<vmem>> -> memref<32x128xf32, #tpu.memory_space<vmem>>
    %dma_start3A_91 = arith.constant 0 : i32
    %dma_start3A_92 = tpu.memref_slice %arg5[%dma_start3A_91, %multiple_of3A_79] : memref<32x1000000xf32, #tpu.memory_space<hbm>> -> memref<32x128xf32, #tpu.memory_space<hbm>>
    tpu.enqueue_dma source(%dma_start3A_92 : memref<32x128xf32, #tpu.memory_space<hbm>>) target(%dma_start3A_90 : memref<32x128xf32, #tpu.memory_space<vmem>>) target_semaphore(%arg13 : memref<!tpu.dma_semaphore, #tpu.memory_space<semaphore_mem>>)
    %slice3A_93 = vector.extract_strided_slice %get3A_12 {offsets = [2], sizes = [1], strides = [1]} : vector<16xi32> to vector<1xi32>
    %squeeze3A_94 = vector.extract %slice3A_93[0] : i32 from vector<1xi32>
    %shift_right_logical3A_95 = arith.constant 7 : i32
    %shift_right_logical3A_96 = arith.shrui %squeeze3A_94, %shift_right_logical3A_95 : i32
    %slice3A_97 = vector.extract_strided_slice %get3A_17 {offsets = [2], sizes = [1], strides = [1]} : vector<16xi32> to vector<1xi32>
    %squeeze3A_98 = vector.extract %slice3A_97[0] : i32 from vector<1xi32>
    %shift_right_logical3A_99 = arith.constant 7 : i32
    %shift_right_logical3A_100 = arith.shrui %squeeze3A_98, %shift_right_logical3A_99 : i32
    %mul3A_101 = arith.constant 128 : i32
    %mul3A_102 = arith.muli %shift_right_logical3A_96, %mul3A_101 : i32
    %multiple_of3A_103 = tpu.assume_multiple %mul3A_102, 128 : i32
    %dma_start3A_104 = arith.constant 2 : i32
    %dma_start3A_105 = arith.constant 0 : i32
    %dma_start3A_106 = arith.constant 0 : i32
    %dma_start3A_107 = tpu.memref_slice %arg9[%rem3A_8, %dma_start3A_104, %dma_start3A_105, %dma_start3A_106] : memref<3x4x32x128xf32, #tpu.memory_space<vmem>> -> memref<1x1x32x128xf32, #tpu.memory_space<vmem>>
    %dma_start3A_108 = tpu.memref_squeeze %dma_start3A_107 : memref<1x1x32x128xf32, #tpu.memory_space<vmem>> -> memref<32x128xf32, #tpu.memory_space<vmem>>
    %dma_start3A_109 = arith.constant 0 : i32
    %dma_start3A_110 = tpu.memref_slice %arg4[%dma_start3A_109, %multiple_of3A_103] : memref<32x1000000xf32, #tpu.memory_space<hbm>> -> memref<32x128xf32, #tpu.memory_space<hbm>>
    %dma_start3A_111 = arith.constant 0 : i32
    %dma_start3A_112 = arith.constant 0 : i32
    %dma_start3A_113 = tpu.memref_slice %arg9[%rem3A_8, %dma_start3A_104, %dma_start3A_111, %dma_start3A_112] : memref<3x4x32x128xf32, #tpu.memory_space<vmem>> -> memref<1x1x32x128xf32, #tpu.memory_space<vmem>>
    %dma_start3A_114 = tpu.memref_squeeze %dma_start3A_113 : memref<1x1x32x128xf32, #tpu.memory_space<vmem>> -> memref<32x128xf32, #tpu.memory_space<vmem>>
    %dma_start3A_115 = arith.constant 0 : i32
    %dma_start3A_116 = tpu.memref_slice %arg4[%dma_start3A_115, %multiple_of3A_103] : memref<32x1000000xf32, #tpu.memory_space<hbm>> -> memref<32x128xf32, #tpu.memory_space<hbm>>
    tpu.enqueue_dma source(%dma_start3A_116 : memref<32x128xf32, #tpu.memory_space<hbm>>) target(%dma_start3A_114 : memref<32x128xf32, #tpu.memory_space<vmem>>) target_semaphore(%arg12 : memref<!tpu.dma_semaphore, #tpu.memory_space<semaphore_mem>>)
    %mul3A_117 = arith.constant 128 : i32
    %mul3A_118 = arith.muli %shift_right_logical3A_100, %mul3A_117 : i32
    %multiple_of3A_119 = tpu.assume_multiple %mul3A_118, 128 : i32
    %dma_start3A_120 = arith.constant 2 : i32
    %dma_start3A_121 = arith.constant 0 : i32
    %dma_start3A_122 = arith.constant 0 : i32
    %dma_start3A_123 = tpu.memref_slice %arg10[%rem3A_8, %dma_start3A_120, %dma_start3A_121, %dma_start3A_122] : memref<3x4x32x128xf32, #tpu.memory_space<vmem>> -> memref<1x1x32x128xf32, #tpu.memory_space<vmem>>
    %dma_start3A_124 = tpu.memref_squeeze %dma_start3A_123 : memref<1x1x32x128xf32, #tpu.memory_space<vmem>> -> memref<32x128xf32, #tpu.memory_space<vmem>>
    %dma_start3A_125 = arith.constant 0 : i32
    %dma_start3A_126 = tpu.memref_slice %arg5[%dma_start3A_125, %multiple_of3A_119] : memref<32x1000000xf32, #tpu.memory_space<hbm>> -> memref<32x128xf32, #tpu.memory_space<hbm>>
    %dma_start3A_127 = arith.constant 0 : i32
    %dma_start3A_128 = arith.constant 0 : i32
    %dma_start3A_129 = tpu.memref_slice %arg10[%rem3A_8, %dma_start3A_120, %dma_start3A_127, %dma_start3A_128] : memref<3x4x32x128xf32, #tpu.memory_space<vmem>> -> memref<1x1x32x128xf32, #tpu.memory_space<vmem>>
    %dma_start3A_130 = tpu.memref_squeeze %dma_start3A_129 : memref<1x1x32x128xf32, #tpu.memory_space<vmem>> -> memref<32x128xf32, #tpu.memory_space<vmem>>
    %dma_start3A_131 = arith.constant 0 : i32
    %dma_start3A_132 = tpu.memref_slice %arg5[%dma_start3A_131, %multiple_of3A_119] : memref<32x1000000xf32, #tpu.memory_space<hbm>> -> memref<32x128xf32, #tpu.memory_space<hbm>>
    tpu.enqueue_dma source(%dma_start3A_132 : memref<32x128xf32, #tpu.memory_space<hbm>>) target(%dma_start3A_130 : memref<32x128xf32, #tpu.memory_space<vmem>>) target_semaphore(%arg13 : memref<!tpu.dma_semaphore, #tpu.memory_space<semaphore_mem>>)
    %slice3A_133 = vector.extract_strided_slice %get3A_12 {offsets = [3], sizes = [1], strides = [1]} : vector<16xi32> to vector<1xi32>
    %squeeze3A_134 = vector.extract %slice3A_133[0] : i32 from vector<1xi32>
    %shift_right_logical3A_135 = arith.constant 7 : i32
    %shift_right_logical3A_136 = arith.shrui %squeeze3A_134, %shift_right_logical3A_135 : i32
    %slice3A_137 = vector.extract_strided_slice %get3A_17 {offsets = [3], sizes = [1], strides = [1]} : vector<16xi32> to vector<1xi32>
    %squeeze3A_138 = vector.extract %slice3A_137[0] : i32 from vector<1xi32>
    %shift_right_logical3A_139 = arith.constant 7 : i32
    %shift_right_logical3A_140 = arith.shrui %squeeze3A_138, %shift_right_logical3A_139 : i32
    %mul3A_141 = arith.constant 128 : i32
    %mul3A_142 = arith.muli %shift_right_logical3A_136, %mul3A_141 : i32
    %multiple_of3A_143 = tpu.assume_multiple %mul3A_142, 128 : i32
    %dma_start3A_144 = arith.constant 3 : i32
    %dma_start3A_145 = arith.constant 0 : i32
    %dma_start3A_146 = arith.constant 0 : i32
    %dma_start3A_147 = tpu.memref_slice %arg9[%rem3A_8, %dma_start3A_144, %dma_start3A_145, %dma_start3A_146] : memref<3x4x32x128xf32, #tpu.memory_space<vmem>> -> memref<1x1x32x128xf32, #tpu.memory_space<vmem>>
    %dma_start3A_148 = tpu.memref_squeeze %dma_start3A_147 : memref<1x1x32x128xf32, #tpu.memory_space<vmem>> -> memref<32x128xf32, #tpu.memory_space<vmem>>
    %dma_start3A_149 = arith.constant 0 : i32
    %dma_start3A_150 = tpu.memref_slice %arg4[%dma_start3A_149, %multiple_of3A_143] : memref<32x1000000xf32, #tpu.memory_space<hbm>> -> memref<32x128xf32, #tpu.memory_space<hbm>>
    %dma_start3A_151 = arith.constant 0 : i32
    %dma_start3A_152 = arith.constant 0 : i32
    %dma_start3A_153 = tpu.memref_slice %arg9[%rem3A_8, %dma_start3A_144, %dma_start3A_151, %dma_start3A_152] : memref<3x4x32x128xf32, #tpu.memory_space<vmem>> -> memref<1x1x32x128xf32, #tpu.memory_space<vmem>>
    %dma_start3A_154 = tpu.memref_squeeze %dma_start3A_153 : memref<1x1x32x128xf32, #tpu.memory_space<vmem>> -> memref<32x128xf32, #tpu.memory_space<vmem>>
    %dma_start3A_155 = arith.constant 0 : i32
    %dma_start3A_156 = tpu.memref_slice %arg4[%dma_start3A_155, %multiple_of3A_143] : memref<32x1000000xf32, #tpu.memory_space<hbm>> -> memref<32x128xf32, #tpu.memory_space<hbm>>
    tpu.enqueue_dma source(%dma_start3A_156 : memref<32x128xf32, #tpu.memory_space<hbm>>) target(%dma_start3A_154 : memref<32x128xf32, #tpu.memory_space<vmem>>) target_semaphore(%arg12 : memref<!tpu.dma_semaphore, #tpu.memory_space<semaphore_mem>>)
    %mul3A_157 = arith.constant 128 : i32
    %mul3A_158 = arith.muli %shift_right_logical3A_140, %mul3A_157 : i32
    %multiple_of3A_159 = tpu.assume_multiple %mul3A_158, 128 : i32
    %dma_start3A_160 = arith.constant 3 : i32
    %dma_start3A_161 = arith.constant 0 : i32
    %dma_start3A_162 = arith.constant 0 : i32
    %dma_start3A_163 = tpu.memref_slice %arg10[%rem3A_8, %dma_start3A_160, %dma_start3A_161, %dma_start3A_162] : memref<3x4x32x128xf32, #tpu.memory_space<vmem>> -> memref<1x1x32x128xf32, #tpu.memory_space<vmem>>
    %dma_start3A_164 = tpu.memref_squeeze %dma_start3A_163 : memref<1x1x32x128xf32, #tpu.memory_space<vmem>> -> memref<32x128xf32, #tpu.memory_space<vmem>>
    %dma_start3A_165 = arith.constant 0 : i32
    %dma_start3A_166 = tpu.memref_slice %arg5[%dma_start3A_165, %multiple_of3A_159] : memref<32x1000000xf32, #tpu.memory_space<hbm>> -> memref<32x128xf32, #tpu.memory_space<hbm>>
    %dma_start3A_167 = arith.constant 0 : i32
    %dma_start3A_168 = arith.constant 0 : i32
    %dma_start3A_169 = tpu.memref_slice %arg10[%rem3A_8, %dma_start3A_160, %dma_start3A_167, %dma_start3A_168] : memref<3x4x32x128xf32, #tpu.memory_space<vmem>> -> memref<1x1x32x128xf32, #tpu.memory_space<vmem>>
    %dma_start3A_170 = tpu.memref_squeeze %dma_start3A_169 : memref<1x1x32x128xf32, #tpu.memory_space<vmem>> -> memref<32x128xf32, #tpu.memory_space<vmem>>
    %dma_start3A_171 = arith.constant 0 : i32
    %dma_start3A_172 = tpu.memref_slice %arg5[%dma_start3A_171, %multiple_of3A_159] : memref<32x1000000xf32, #tpu.memory_space<hbm>> -> memref<32x128xf32, #tpu.memory_space<hbm>>
    tpu.enqueue_dma source(%dma_start3A_172 : memref<32x128xf32, #tpu.memory_space<hbm>>) target(%dma_start3A_170 : memref<32x128xf32, #tpu.memory_space<vmem>>) target_semaphore(%arg13 : memref<!tpu.dma_semaphore, #tpu.memory_space<semaphore_mem>>)
    %rem3A_173 = arith.constant 1 : i32
    %rem3A_174 = arith.constant 3 : i32
    %rem3A_175 = arith.remsi %rem3A_173, %rem3A_174 : i32
    %mul3A_176 = arith.constant 1 : i32
    %mul3A_177 = arith.constant 4 : i32
    %mul3A_178 = arith.muli %mul3A_176, %mul3A_177 : i32
    %get3A_179 = arith.index_cast %mul3A_178 : i32 to index
    %get3A_180 = tpu.vector_load %arg7[%get3A_179] {strides = array<i32>} : memref<528xi32, #tpu.memory_space<vmem>>, vector<16xi32>,
    %mul3A_181 = arith.constant 1 : i32
    %mul3A_182 = arith.constant 4 : i32
    %mul3A_183 = arith.muli %mul3A_181, %mul3A_182 : i32
    %get3A_184 = arith.index_cast %mul3A_183 : i32 to index
    %get3A_185 = tpu.vector_load %arg8[%get3A_184] {strides = array<i32>} : memref<528xi32, #tpu.memory_space<vmem>>, vector<16xi32>,
    %slice3A_186 = vector.extract_strided_slice %get3A_180 {offsets = [0], sizes = [1], strides = [1]} : vector<16xi32> to vector<1xi32>
    %squeeze3A_187 = vector.extract %slice3A_186[0] : i32 from vector<1xi32>
    %shift_right_logical3A_188 = arith.constant 7 : i32
    %shift_right_logical3A_189 = arith.shrui %squeeze3A_187, %shift_right_logical3A_188 : i32
    %slice3A_190 = vector.extract_strided_slice %get3A_185 {offsets = [0], sizes = [1], strides = [1]} : vector<16xi32> to vector<1xi32>
    %squeeze3A_191 = vector.extract %slice3A_190[0] : i32 from vector<1xi32>
    %shift_right_logical3A_192 = arith.constant 7 : i32
    %shift_right_logical3A_193 = arith.shrui %squeeze3A_191, %shift_right_logical3A_192 : i32
    %mul3A_194 = arith.constant 128 : i32
    %mul3A_195 = arith.muli %shift_right_logical3A_189, %mul3A_194 : i32
    %multiple_of3A_196 = tpu.assume_multiple %mul3A_195, 128 : i32
    %dma_start3A_197 = arith.constant 0 : i32
    %dma_start3A_198 = arith.constant 0 : i32
    %dma_start3A_199 = arith.constant 0 : i32
    %dma_start3A_200 = tpu.memref_slice %arg9[%rem3A_175, %dma_start3A_197, %dma_start3A_198, %dma_start3A_199] : memref<3x4x32x128xf32, #tpu.memory_space<vmem>> -> memref<1x1x32x128xf32, #tpu.memory_space<vmem>>
    %dma_start3A_201 = tpu.memref_squeeze %dma_start3A_200 : memref<1x1x32x128xf32, #tpu.memory_space<vmem>> -> memref<32x128xf32, #tpu.memory_space<vmem>>
    %dma_start3A_202 = arith.constant 0 : i32
    %dma_start3A_203 = tpu.memref_slice %arg4[%dma_start3A_202, %multiple_of3A_196] : memref<32x1000000xf32, #tpu.memory_space<hbm>> -> memref<32x128xf32, #tpu.memory_space<hbm>>
    %dma_start3A_204 = arith.constant 0 : i32
    %dma_start3A_205 = arith.constant 0 : i32
    %dma_start3A_206 = tpu.memref_slice %arg9[%rem3A_175, %dma_start3A_197, %dma_start3A_204, %dma_start3A_205] : memref<3x4x32x128xf32, #tpu.memory_space<vmem>> -> memref<1x1x32x128xf32, #tpu.memory_space<vmem>>
    %dma_start3A_207 = tpu.memref_squeeze %dma_start3A_206 : memref<1x1x32x128xf32, #tpu.memory_space<vmem>> -> memref<32x128xf32, #tpu.memory_space<vmem>>
    %dma_start3A_208 = arith.constant 0 : i32
    %dma_start3A_209 = tpu.memref_slice %arg4[%dma_start3A_208, %multiple_of3A_196] : memref<32x1000000xf32, #tpu.memory_space<hbm>> -> memref<32x128xf32, #tpu.memory_space<hbm>>
    tpu.enqueue_dma source(%dma_start3A_209 : memref<32x128xf32, #tpu.memory_space<hbm>>) target(%dma_start3A_207 : memref<32x128xf32, #tpu.memory_space<vmem>>) target_semaphore(%arg12 : memref<!tpu.dma_semaphore, #tpu.memory_space<semaphore_mem>>)
    %mul3A_210 = arith.constant 128 : i32
    %mul3A_211 = arith.muli %shift_right_logical3A_193, %mul3A_210 : i32
    %multiple_of3A_212 = tpu.assume_multiple %mul3A_211, 128 : i32
    %dma_start3A_213 = arith.constant 0 : i32
    %dma_start3A_214 = arith.constant 0 : i32
    %dma_start3A_215 = arith.constant 0 : i32
    %dma_start3A_216 = tpu.memref_slice %arg10[%rem3A_175, %dma_start3A_213, %dma_start3A_214, %dma_start3A_215] : memref<3x4x32x128xf32, #tpu.memory_space<vmem>> -> memref<1x1x32x128xf32, #tpu.memory_space<vmem>>
    %dma_start3A_217 = tpu.memref_squeeze %dma_start3A_216 : memref<1x1x32x128xf32, #tpu.memory_space<vmem>> -> memref<32x128xf32, #tpu.memory_space<vmem>>
    %dma_start3A_218 = arith.constant 0 : i32
    %dma_start3A_219 = tpu.memref_slice %arg5[%dma_start3A_218, %multiple_of3A_212] : memref<32x1000000xf32, #tpu.memory_space<hbm>> -> memref<32x128xf32, #tpu.memory_space<hbm>>
    %dma_start3A_220 = arith.constant 0 : i32
    %dma_start3A_221 = arith.constant 0 : i32
    %dma_start3A_222 = tpu.memref_slice %arg10[%rem3A_175, %dma_start3A_213, %dma_start3A_220, %dma_start3A_221] : memref<3x4x32x128xf32, #tpu.memory_space<vmem>> -> memref<1x1x32x128xf32, #tpu.memory_space<vmem>>
    %dma_start3A_223 = tpu.memref_squeeze %dma_start3A_222 : memref<1x1x32x128xf32, #tpu.memory_space<vmem>> -> memref<32x128xf32, #tpu.memory_space<vmem>>
    %dma_start3A_224 = arith.constant 0 : i32
    %dma_start3A_225 = tpu.memref_slice %arg5[%dma_start3A_224, %multiple_of3A_212] : memref<32x1000000xf32, #tpu.memory_space<hbm>> -> memref<32x128xf32, #tpu.memory_space<hbm>>
    tpu.enqueue_dma source(%dma_start3A_225 : memref<32x128xf32, #tpu.memory_space<hbm>>) target(%dma_start3A_223 : memref<32x128xf32, #tpu.memory_space<vmem>>) target_semaphore(%arg13 : memref<!tpu.dma_semaphore, #tpu.memory_space<semaphore_mem>>)
    %slice3A_226 = vector.extract_strided_slice %get3A_180 {offsets = [1], sizes = [1], strides = [1]} : vector<16xi32> to vector<1xi32>
    %squeeze3A_227 = vector.extract %slice3A_226[0] : i32 from vector<1xi32>
    %shift_right_logical3A_228 = arith.constant 7 : i32
    %shift_right_logical3A_229 = arith.shrui %squeeze3A_227, %shift_right_logical3A_228 : i32
    %slice3A_230 = vector.extract_strided_slice %get3A_185 {offsets = [1], sizes = [1], strides = [1]} : vector<16xi32> to vector<1xi32>
    %squeeze3A_231 = vector.extract %slice3A_230[0] : i32 from vector<1xi32>
    %shift_right_logical3A_232 = arith.constant 7 : i32
    %shift_right_logical3A_233 = arith.shrui %squeeze3A_231, %shift_right_logical3A_232 : i32
    %mul3A_234 = arith.constant 128 : i32
    %mul3A_235 = arith.muli %shift_right_logical3A_229, %mul3A_234 : i32
    %multiple_of3A_236 = tpu.assume_multiple %mul3A_235, 128 : i32
    %dma_start3A_237 = arith.constant 1 : i32
    %dma_start3A_238 = arith.constant 0 : i32
    %dma_start3A_239 = arith.constant 0 : i32
    %dma_start3A_240 = tpu.memref_slice %arg9[%rem3A_175, %dma_start3A_237, %dma_start3A_238, %dma_start3A_239] : memref<3x4x32x128xf32, #tpu.memory_space<vmem>> -> memref<1x1x32x128xf32, #tpu.memory_space<vmem>>
    %dma_start3A_241 = tpu.memref_squeeze %dma_start3A_240 : memref<1x1x32x128xf32, #tpu.memory_space<vmem>> -> memref<32x128xf32, #tpu.memory_space<vmem>>
    %dma_start3A_242 = arith.constant 0 : i32
    %dma_start3A_243 = tpu.memref_slice %arg4[%dma_start3A_242, %multiple_of3A_236] : memref<32x1000000xf32, #tpu.memory_space<hbm>> -> memref<32x128xf32, #tpu.memory_space<hbm>>
    %dma_start3A_244 = arith.constant 0 : i32
    %dma_start3A_245 = arith.constant 0 : i32
    %dma_start3A_246 = tpu.memref_slice %arg9[%rem3A_175, %dma_start3A_237, %dma_start3A_244, %dma_start3A_245] : memref<3x4x32x128xf32, #tpu.memory_space<vmem>> -> memref<1x1x32x128xf32, #tpu.memory_space<vmem>>
    %dma_start3A_247 = tpu.memref_squeeze %dma_start3A_246 : memref<1x1x32x128xf32, #tpu.memory_space<vmem>> -> memref<32x128xf32, #tpu.memory_space<vmem>>
    %dma_start3A_248 = arith.constant 0 : i32
    %dma_start3A_249 = tpu.memref_slice %arg4[%dma_start3A_248, %multiple_of3A_236] : memref<32x1000000xf32, #tpu.memory_space<hbm>> -> memref<32x128xf32, #tpu.memory_space<hbm>>
    tpu.enqueue_dma source(%dma_start3A_249 : memref<32x128xf32, #tpu.memory_space<hbm>>) target(%dma_start3A_247 : memref<32x128xf32, #tpu.memory_space<vmem>>) target_semaphore(%arg12 : memref<!tpu.dma_semaphore, #tpu.memory_space<semaphore_mem>>)
    %mul3A_250 = arith.constant 128 : i32
    %mul3A_251 = arith.muli %shift_right_logical3A_233, %mul3A_250 : i32
    %multiple_of3A_252 = tpu.assume_multiple %mul3A_251, 128 : i32
    %dma_start3A_253 = arith.constant 1 : i32
    %dma_start3A_254 = arith.constant 0 : i32
    %dma_start3A_255 = arith.constant 0 : i32
    %dma_start3A_256 = tpu.memref_slice %arg10[%rem3A_175, %dma_start3A_253, %dma_start3A_254, %dma_start3A_255] : memref<3x4x32x128xf32, #tpu.memory_space<vmem>> -> memref<1x1x32x128xf32, #tpu.memory_space<vmem>>
    %dma_start3A_257 = tpu.memref_squeeze %dma_start3A_256 : memref<1x1x32x128xf32, #tpu.memory_space<vmem>> -> memref<32x128xf32, #tpu.memory_space<vmem>>
    %dma_start3A_258 = arith.constant 0 : i32
    %dma_start3A_259 = tpu.memref_slice %arg5[%dma_start3A_258, %multiple_of3A_252] : memref<32x1000000xf32, #tpu.memory_space<hbm>> -> memref<32x128xf32, #tpu.memory_space<hbm>>
    %dma_start3A_260 = arith.constant 0 : i32
    %dma_start3A_261 = arith.constant 0 : i32
    %dma_start3A_262 = tpu.memref_slice %arg10[%rem3A_175, %dma_start3A_253, %dma_start3A_260, %dma_start3A_261] : memref<3x4x32x128xf32, #tpu.memory_space<vmem>> -> memref<1x1x32x128xf32, #tpu.memory_space<vmem>>
    %dma_start3A_263 = tpu.memref_squeeze %dma_start3A_262 : memref<1x1x32x128xf32, #tpu.memory_space<vmem>> -> memref<32x128xf32, #tpu.memory_space<vmem>>
    %dma_start3A_264 = arith.constant 0 : i32
    %dma_start3A_265 = tpu.memref_slice %arg5[%dma_start3A_264, %multiple_of3A_252] : memref<32x1000000xf32, #tpu.memory_space<hbm>> -> memref<32x128xf32, #tpu.memory_space<hbm>>
    tpu.enqueue_dma source(%dma_start3A_265 : memref<32x128xf32, #tpu.memory_space<hbm>>) target(%dma_start3A_263 : memref<32x128xf32, #tpu.memory_space<vmem>>) target_semaphore(%arg13 : memref<!tpu.dma_semaphore, #tpu.memory_space<semaphore_mem>>)
    %slice3A_266 = vector.extract_strided_slice %get3A_180 {offsets = [2], sizes = [1], strides = [1]} : vector<16xi32> to vector<1xi32>
    %squeeze3A_267 = vector.extract %slice3A_266[0] : i32 from vector<1xi32>
    %shift_right_logical3A_268 = arith.constant 7 : i32
    %shift_right_logical3A_269 = arith.shrui %squeeze3A_267, %shift_right_logical3A_268 : i32
    %slice3A_270 = vector.extract_strided_slice %get3A_185 {offsets = [2], sizes = [1], strides = [1]} : vector<16xi32> to vector<1xi32>
    %squeeze3A_271 = vector.extract %slice3A_270[0] : i32 from vector<1xi32>
    %shift_right_logical3A_272 = arith.constant 7 : i32
    %shift_right_logical3A_273 = arith.shrui %squeeze3A_271, %shift_right_logical3A_272 : i32
    %mul3A_274 = arith.constant 128 : i32
    %mul3A_275 = arith.muli %shift_right_logical3A_269, %mul3A_274 : i32
    %multiple_of3A_276 = tpu.assume_multiple %mul3A_275, 128 : i32
    %dma_start3A_277 = arith.constant 2 : i32
    %dma_start3A_278 = arith.constant 0 : i32
    %dma_start3A_279 = arith.constant 0 : i32
    %dma_start3A_280 = tpu.memref_slice %arg9[%rem3A_175, %dma_start3A_277, %dma_start3A_278, %dma_start3A_279] : memref<3x4x32x128xf32, #tpu.memory_space<vmem>> -> memref<1x1x32x128xf32, #tpu.memory_space<vmem>>
    %dma_start3A_281 = tpu.memref_squeeze %dma_start3A_280 : memref<1x1x32x128xf32, #tpu.memory_space<vmem>> -> memref<32x128xf32, #tpu.memory_space<vmem>>
    %dma_start3A_282 = arith.constant 0 : i32
    %dma_start3A_283 = tpu.memref_slice %arg4[%dma_start3A_282, %multiple_of3A_276] : memref<32x1000000xf32, #tpu.memory_space<hbm>> -> memref<32x128xf32, #tpu.memory_space<hbm>>
    %dma_start3A_284 = arith.constant 0 : i32
    %dma_start3A_285 = arith.constant 0 : i32
    %dma_start3A_286 = tpu.memref_slice %arg9[%rem3A_175, %dma_start3A_277, %dma_start3A_284, %dma_start3A_285] : memref<3x4x32x128xf32, #tpu.memory_space<vmem>> -> memref<1x1x32x128xf32, #tpu.memory_space<vmem>>
    %dma_start3A_287 = tpu.memref_squeeze %dma_start3A_286 : memref<1x1x32x128xf32, #tpu.memory_space<vmem>> -> memref<32x128xf32, #tpu.memory_space<vmem>>
    %dma_start3A_288 = arith.constant 0 : i32
    %dma_start3A_289 = tpu.memref_slice %arg4[%dma_start3A_288, %multiple_of3A_276] : memref<32x1000000xf32, #tpu.memory_space<hbm>> -> memref<32x128xf32, #tpu.memory_space<hbm>>
    tpu.enqueue_dma source(%dma_start3A_289 : memref<32x128xf32, #tpu.memory_space<hbm>>) target(%dma_start3A_287 : memref<32x128xf32, #tpu.memory_space<vmem>>) target_semaphore(%arg12 : memref<!tpu.dma_semaphore, #tpu.memory_space<semaphore_mem>>)
    %mul3A_290 = arith.constant 128 : i32
    %mul3A_291 = arith.muli %shift_right_logical3A_273, %mul3A_290 : i32
    %multiple_of3A_292 = tpu.assume_multiple %mul3A_291, 128 : i32
    %dma_start3A_293 = arith.constant 2 : i32
    %dma_start3A_294 = arith.constant 0 : i32
    %dma_start3A_295 = arith.constant 0 : i32
    %dma_start3A_296 = tpu.memref_slice %arg10[%rem3A_175, %dma_start3A_293, %dma_start3A_294, %dma_start3A_295] : memref<3x4x32x128xf32, #tpu.memory_space<vmem>> -> memref<1x1x32x128xf32, #tpu.memory_space<vmem>>
    %dma_start3A_297 = tpu.memref_squeeze %dma_start3A_296 : memref<1x1x32x128xf32, #tpu.memory_space<vmem>> -> memref<32x128xf32, #tpu.memory_space<vmem>>
    %dma_start3A_298 = arith.constant 0 : i32
    %dma_start3A_299 = tpu.memref_slice %arg5[%dma_start3A_298, %multiple_of3A_292] : memref<32x1000000xf32, #tpu.memory_space<hbm>> -> memref<32x128xf32, #tpu.memory_space<hbm>>
    %dma_start3A_300 = arith.constant 0 : i32
    %dma_start3A_301 = arith.constant 0 : i32
    %dma_start3A_302 = tpu.memref_slice %arg10[%rem3A_175, %dma_start3A_293, %dma_start3A_300, %dma_start3A_301] : memref<3x4x32x128xf32, #tpu.memory_space<vmem>> -> memref<1x1x32x128xf32, #tpu.memory_space<vmem>>
    %dma_start3A_303 = tpu.memref_squeeze %dma_start3A_302 : memref<1x1x32x128xf32, #tpu.memory_space<vmem>> -> memref<32x128xf32, #tpu.memory_space<vmem>>
    %dma_start3A_304 = arith.constant 0 : i32
    %dma_start3A_305 = tpu.memref_slice %arg5[%dma_start3A_304, %multiple_of3A_292] : memref<32x1000000xf32, #tpu.memory_space<hbm>> -> memref<32x128xf32, #tpu.memory_space<hbm>>
    tpu.enqueue_dma source(%dma_start3A_305 : memref<32x128xf32, #tpu.memory_space<hbm>>) target(%dma_start3A_303 : memref<32x128xf32, #tpu.memory_space<vmem>>) target_semaphore(%arg13 : memref<!tpu.dma_semaphore, #tpu.memory_space<semaphore_mem>>)
    %slice3A_306 = vector.extract_strided_slice %get3A_180 {offsets = [3], sizes = [1], strides = [1]} : vector<16xi32> to vector<1xi32>
    %squeeze3A_307 = vector.extract %slice3A_306[0] : i32 from vector<1xi32>
    %shift_right_logical3A_308 = arith.constant 7 : i32
    %shift_right_logical3A_309 = arith.shrui %squeeze3A_307, %shift_right_logical3A_308 : i32
    %slice3A_310 = vector.extract_strided_slice %get3A_185 {offsets = [3], sizes = [1], strides = [1]} : vector<16xi32> to vector<1xi32>
    %squeeze3A_311 = vector.extract %slice3A_310[0] : i32 from vector<1xi32>
    %shift_right_logical3A_312 = arith.constant 7 : i32
    %shift_right_logical3A_313 = arith.shrui %squeeze3A_311, %shift_right_logical3A_312 : i32
    %mul3A_314 = arith.constant 128 : i32
    %mul3A_315 = arith.muli %shift_right_logical3A_309, %mul3A_314 : i32
    %multiple_of3A_316 = tpu.assume_multiple %mul3A_315, 128 : i32
    %dma_start3A_317 = arith.constant 3 : i32
    %dma_start3A_318 = arith.constant 0 : i32
    %dma_start3A_319 = arith.constant 0 : i32
    %dma_start3A_320 = tpu.memref_slice %arg9[%rem3A_175, %dma_start3A_317, %dma_start3A_318, %dma_start3A_319] : memref<3x4x32x128xf32, #tpu.memory_space<vmem>> -> memref<1x1x32x128xf32, #tpu.memory_space<vmem>>
    %dma_start3A_321 = tpu.memref_squeeze %dma_start3A_320 : memref<1x1x32x128xf32, #tpu.memory_space<vmem>> -> memref<32x128xf32, #tpu.memory_space<vmem>>
    %dma_start3A_322 = arith.constant 0 : i32
    %dma_start3A_323 = tpu.memref_slice %arg4[%dma_start3A_322, %multiple_of3A_316] : memref<32x1000000xf32, #tpu.memory_space<hbm>> -> memref<32x128xf32, #tpu.memory_space<hbm>>
    %dma_start3A_324 = arith.constant 0 : i32
    %dma_start3A_325 = arith.constant 0 : i32
    %dma_start3A_326 = tpu.memref_slice %arg9[%rem3A_175, %dma_start3A_317, %dma_start3A_324, %dma_start3A_325] : memref<3x4x32x128xf32, #tpu.memory_space<vmem>> -> memref<1x1x32x128xf32, #tpu.memory_space<vmem>>
    %dma_start3A_327 = tpu.memref_squeeze %dma_start3A_326 : memref<1x1x32x128xf32, #tpu.memory_space<vmem>> -> memref<32x128xf32, #tpu.memory_space<vmem>>
    %dma_start3A_328 = arith.constant 0 : i32
    %dma_start3A_329 = tpu.memref_slice %arg4[%dma_start3A_328, %multiple_of3A_316] : memref<32x1000000xf32, #tpu.memory_space<hbm>> -> memref<32x128xf32, #tpu.memory_space<hbm>>
    tpu.enqueue_dma source(%dma_start3A_329 : memref<32x128xf32, #tpu.memory_space<hbm>>) target(%dma_start3A_327 : memref<32x128xf32, #tpu.memory_space<vmem>>) target_semaphore(%arg12 : memref<!tpu.dma_semaphore, #tpu.memory_space<semaphore_mem>>)
    %mul3A_330 = arith.constant 128 : i32
    %mul3A_331 = arith.muli %shift_right_logical3A_313, %mul3A_330 : i32
    %multiple_of3A_332 = tpu.assume_multiple %mul3A_331, 128 : i32
    %dma_start3A_333 = arith.constant 3 : i32
    %dma_start3A_334 = arith.constant 0 : i32
    %dma_start3A_335 = arith.constant 0 : i32
    %dma_start3A_336 = tpu.memref_slice %arg10[%rem3A_175, %dma_start3A_333, %dma_start3A_334, %dma_start3A_335] : memref<3x4x32x128xf32, #tpu.memory_space<vmem>> -> memref<1x1x32x128xf32, #tpu.memory_space<vmem>>
    %dma_start3A_337 = tpu.memref_squeeze %dma_start3A_336 : memref<1x1x32x128xf32, #tpu.memory_space<vmem>> -> memref<32x128xf32, #tpu.memory_space<vmem>>
    %dma_start3A_338 = arith.constant 0 : i32
    %dma_start3A_339 = tpu.memref_slice %arg5[%dma_start3A_338, %multiple_of3A_332] : memref<32x1000000xf32, #tpu.memory_space<hbm>> -> memref<32x128xf32, #tpu.memory_space<hbm>>
    %dma_start3A_340 = arith.constant 0 : i32
    %dma_start3A_341 = arith.constant 0 : i32
    %dma_start3A_342 = tpu.memref_slice %arg10[%rem3A_175, %dma_start3A_333, %dma_start3A_340, %dma_start3A_341] : memref<3x4x32x128xf32, #tpu.memory_space<vmem>> -> memref<1x1x32x128xf32, #tpu.memory_space<vmem>>
    %dma_start3A_343 = tpu.memref_squeeze %dma_start3A_342 : memref<1x1x32x128xf32, #tpu.memory_space<vmem>> -> memref<32x128xf32, #tpu.memory_space<vmem>>
    %dma_start3A_344 = arith.constant 0 : i32
    %dma_start3A_345 = tpu.memref_slice %arg5[%dma_start3A_344, %multiple_of3A_332] : memref<32x1000000xf32, #tpu.memory_space<hbm>> -> memref<32x128xf32, #tpu.memory_space<hbm>>
    tpu.enqueue_dma source(%dma_start3A_345 : memref<32x128xf32, #tpu.memory_space<hbm>>) target(%dma_start3A_343 : memref<32x128xf32, #tpu.memory_space<vmem>>) target_semaphore(%arg13 : memref<!tpu.dma_semaphore, #tpu.memory_space<semaphore_mem>>)
    %scan3A = arith.constant 0 : i32
    %scan3A_346 = arith.constant 0 : i32
    %scan3A_347 = arith.constant 128 : i32
    %scan3A_348 = arith.addi %scan3A_346, %scan3A_347 : i32
    %scan3A_349 = arith.constant 1 : i32
    scf.for %scan3A_351 = %scan3A_346 to %scan3A_348 step %scan3A_349  : i32 {
      %add3A_352 = arith.constant 2 : i32
      %add3A_353 = arith.addi %scan3A_351, %add3A_352 : i32
      %lt3A_354 = arith.constant 128 : i32
      %lt3A_355 = arith.cmpi slt, %add3A_353, %lt3A_354 : i32
      %convert_element_type3A = arith.extui %lt3A_355 : i1 to i32
      %cond3A = arith.constant 0 : i32
      %cond3A_356 = arith.cmpi ne, %convert_element_type3A, %cond3A : i32
      scf.if %cond3A_356 {
        %add3A_1007 = arith.constant 2 : i32
        %add3A_1008 = arith.addi %scan3A_351, %add3A_1007 : i32
        %rem3A_1009 = arith.constant 3 : i32
        %rem3A_1010 = arith.remsi %add3A_1008, %rem3A_1009 : i32
        %mul3A_1011 = arith.constant 4 : i32
        %mul3A_1012 = arith.muli %add3A_1008, %mul3A_1011 : i32
        %get3A_1013 = arith.index_cast %mul3A_1012 : i32 to index
        %get3A_1014 = tpu.vector_load %arg7[%get3A_1013] {strides = array<i32>} : memref<528xi32, #tpu.memory_space<vmem>>, vector<16xi32>,
        %mul3A_1015 = arith.constant 4 : i32
        %mul3A_1016 = arith.muli %add3A_1008, %mul3A_1015 : i32
        %get3A_1017 = arith.index_cast %mul3A_1016 : i32 to index
        %get3A_1018 = tpu.vector_load %arg8[%get3A_1017] {strides = array<i32>} : memref<528xi32, #tpu.memory_space<vmem>>, vector<16xi32>,
        %slice3A_1019 = vector.extract_strided_slice %get3A_1014 {offsets = [0], sizes = [1], strides = [1]} : vector<16xi32> to vector<1xi32>
        %squeeze3A_1020 = vector.extract %slice3A_1019[0] : i32 from vector<1xi32>
        %shift_right_logical3A_1021 = arith.constant 7 : i32
        %shift_right_logical3A_1022 = arith.shrui %squeeze3A_1020, %shift_right_logical3A_1021 : i32
        %slice3A_1023 = vector.extract_strided_slice %get3A_1018 {offsets = [0], sizes = [1], strides = [1]} : vector<16xi32> to vector<1xi32>
        %squeeze3A_1024 = vector.extract %slice3A_1023[0] : i32 from vector<1xi32>
        %shift_right_logical3A_1025 = arith.constant 7 : i32
        %shift_right_logical3A_1026 = arith.shrui %squeeze3A_1024, %shift_right_logical3A_1025 : i32
        %mul3A_1027 = arith.constant 128 : i32
        %mul3A_1028 = arith.muli %shift_right_logical3A_1022, %mul3A_1027 : i32
        %multiple_of3A_1029 = tpu.assume_multiple %mul3A_1028, 128 : i32
        %dma_start3A_1030 = arith.constant 0 : i32
        %dma_start3A_1031 = arith.constant 0 : i32
        %dma_start3A_1032 = arith.constant 0 : i32
        %dma_start3A_1033 = tpu.memref_slice %arg9[%rem3A_1010, %dma_start3A_1030, %dma_start3A_1031, %dma_start3A_1032] : memref<3x4x32x128xf32, #tpu.memory_space<vmem>> -> memref<1x1x32x128xf32, #tpu.memory_space<vmem>>
        %dma_start3A_1034 = tpu.memref_squeeze %dma_start3A_1033 : memref<1x1x32x128xf32, #tpu.memory_space<vmem>> -> memref<32x128xf32, #tpu.memory_space<vmem>>
        %dma_start3A_1035 = arith.constant 0 : i32
        %dma_start3A_1036 = tpu.memref_slice %arg4[%dma_start3A_1035, %multiple_of3A_1029] : memref<32x1000000xf32, #tpu.memory_space<hbm>> -> memref<32x128xf32, #tpu.memory_space<hbm>>
        %dma_start3A_1037 = arith.constant 0 : i32
        %dma_start3A_1038 = arith.constant 0 : i32
        %dma_start3A_1039 = tpu.memref_slice %arg9[%rem3A_1010, %dma_start3A_1030, %dma_start3A_1037, %dma_start3A_1038] : memref<3x4x32x128xf32, #tpu.memory_space<vmem>> -> memref<1x1x32x128xf32, #tpu.memory_space<vmem>>
        %dma_start3A_1040 = tpu.memref_squeeze %dma_start3A_1039 : memref<1x1x32x128xf32, #tpu.memory_space<vmem>> -> memref<32x128xf32, #tpu.memory_space<vmem>>
        %dma_start3A_1041 = arith.constant 0 : i32
        %dma_start3A_1042 = tpu.memref_slice %arg4[%dma_start3A_1041, %multiple_of3A_1029] : memref<32x1000000xf32, #tpu.memory_space<hbm>> -> memref<32x128xf32, #tpu.memory_space<hbm>>
        tpu.enqueue_dma source(%dma_start3A_1042 : memref<32x128xf32, #tpu.memory_space<hbm>>) target(%dma_start3A_1040 : memref<32x128xf32, #tpu.memory_space<vmem>>) target_semaphore(%arg12 : memref<!tpu.dma_semaphore, #tpu.memory_space<semaphore_mem>>)
        %mul3A_1043 = arith.constant 128 : i32
        %mul3A_1044 = arith.muli %shift_right_logical3A_1026, %mul3A_1043 : i32
        %multiple_of3A_1045 = tpu.assume_multiple %mul3A_1044, 128 : i32
        %dma_start3A_1046 = arith.constant 0 : i32
        %dma_start3A_1047 = arith.constant 0 : i32
        %dma_start3A_1048 = arith.constant 0 : i32
        %dma_start3A_1049 = tpu.memref_slice %arg10[%rem3A_1010, %dma_start3A_1046, %dma_start3A_1047, %dma_start3A_1048] : memref<3x4x32x128xf32, #tpu.memory_space<vmem>> -> memref<1x1x32x128xf32, #tpu.memory_space<vmem>>
        %dma_start3A_1050 = tpu.memref_squeeze %dma_start3A_1049 : memref<1x1x32x128xf32, #tpu.memory_space<vmem>> -> memref<32x128xf32, #tpu.memory_space<vmem>>
        %dma_start3A_1051 = arith.constant 0 : i32
        %dma_start3A_1052 = tpu.memref_slice %arg5[%dma_start3A_1051, %multiple_of3A_1045] : memref<32x1000000xf32, #tpu.memory_space<hbm>> -> memref<32x128xf32, #tpu.memory_space<hbm>>
        %dma_start3A_1053 = arith.constant 0 : i32
        %dma_start3A_1054 = arith.constant 0 : i32
        %dma_start3A_1055 = tpu.memref_slice %arg10[%rem3A_1010, %dma_start3A_1046, %dma_start3A_1053, %dma_start3A_1054] : memref<3x4x32x128xf32, #tpu.memory_space<vmem>> -> memref<1x1x32x128xf32, #tpu.memory_space<vmem>>
        %dma_start3A_1056 = tpu.memref_squeeze %dma_start3A_1055 : memref<1x1x32x128xf32, #tpu.memory_space<vmem>> -> memref<32x128xf32, #tpu.memory_space<vmem>>
        %dma_start3A_1057 = arith.constant 0 : i32
        %dma_start3A_1058 = tpu.memref_slice %arg5[%dma_start3A_1057, %multiple_of3A_1045] : memref<32x1000000xf32, #tpu.memory_space<hbm>> -> memref<32x128xf32, #tpu.memory_space<hbm>>
        tpu.enqueue_dma source(%dma_start3A_1058 : memref<32x128xf32, #tpu.memory_space<hbm>>) target(%dma_start3A_1056 : memref<32x128xf32, #tpu.memory_space<vmem>>) target_semaphore(%arg13 : memref<!tpu.dma_semaphore, #tpu.memory_space<semaphore_mem>>)
        %slice3A_1059 = vector.extract_strided_slice %get3A_1014 {offsets = [1], sizes = [1], strides = [1]} : vector<16xi32> to vector<1xi32>
        %squeeze3A_1060 = vector.extract %slice3A_1059[0] : i32 from vector<1xi32>
        %shift_right_logical3A_1061 = arith.constant 7 : i32
        %shift_right_logical3A_1062 = arith.shrui %squeeze3A_1060, %shift_right_logical3A_1061 : i32
        %slice3A_1063 = vector.extract_strided_slice %get3A_1018 {offsets = [1], sizes = [1], strides = [1]} : vector<16xi32> to vector<1xi32>
        %squeeze3A_1064 = vector.extract %slice3A_1063[0] : i32 from vector<1xi32>
        %shift_right_logical3A_1065 = arith.constant 7 : i32
        %shift_right_logical3A_1066 = arith.shrui %squeeze3A_1064, %shift_right_logical3A_1065 : i32
        %mul3A_1067 = arith.constant 128 : i32
        %mul3A_1068 = arith.muli %shift_right_logical3A_1062, %mul3A_1067 : i32
        %multiple_of3A_1069 = tpu.assume_multiple %mul3A_1068, 128 : i32
        %dma_start3A_1070 = arith.constant 1 : i32
        %dma_start3A_1071 = arith.constant 0 : i32
        %dma_start3A_1072 = arith.constant 0 : i32
        %dma_start3A_1073 = tpu.memref_slice %arg9[%rem3A_1010, %dma_start3A_1070, %dma_start3A_1071, %dma_start3A_1072] : memref<3x4x32x128xf32, #tpu.memory_space<vmem>> -> memref<1x1x32x128xf32, #tpu.memory_space<vmem>>
        %dma_start3A_1074 = tpu.memref_squeeze %dma_start3A_1073 : memref<1x1x32x128xf32, #tpu.memory_space<vmem>> -> memref<32x128xf32, #tpu.memory_space<vmem>>
        %dma_start3A_1075 = arith.constant 0 : i32
        %dma_start3A_1076 = tpu.memref_slice %arg4[%dma_start3A_1075, %multiple_of3A_1069] : memref<32x1000000xf32, #tpu.memory_space<hbm>> -> memref<32x128xf32, #tpu.memory_space<hbm>>
        %dma_start3A_1077 = arith.constant 0 : i32
        %dma_start3A_1078 = arith.constant 0 : i32
        %dma_start3A_1079 = tpu.memref_slice %arg9[%rem3A_1010, %dma_start3A_1070, %dma_start3A_1077, %dma_start3A_1078] : memref<3x4x32x128xf32, #tpu.memory_space<vmem>> -> memref<1x1x32x128xf32, #tpu.memory_space<vmem>>
        %dma_start3A_1080 = tpu.memref_squeeze %dma_start3A_1079 : memref<1x1x32x128xf32, #tpu.memory_space<vmem>> -> memref<32x128xf32, #tpu.memory_space<vmem>>
        %dma_start3A_1081 = arith.constant 0 : i32
        %dma_start3A_1082 = tpu.memref_slice %arg4[%dma_start3A_1081, %multiple_of3A_1069] : memref<32x1000000xf32, #tpu.memory_space<hbm>> -> memref<32x128xf32, #tpu.memory_space<hbm>>
        tpu.enqueue_dma source(%dma_start3A_1082 : memref<32x128xf32, #tpu.memory_space<hbm>>) target(%dma_start3A_1080 : memref<32x128xf32, #tpu.memory_space<vmem>>) target_semaphore(%arg12 : memref<!tpu.dma_semaphore, #tpu.memory_space<semaphore_mem>>)
        %mul3A_1083 = arith.constant 128 : i32
        %mul3A_1084 = arith.muli %shift_right_logical3A_1066, %mul3A_1083 : i32
        %multiple_of3A_1085 = tpu.assume_multiple %mul3A_1084, 128 : i32
        %dma_start3A_1086 = arith.constant 1 : i32
        %dma_start3A_1087 = arith.constant 0 : i32
        %dma_start3A_1088 = arith.constant 0 : i32
        %dma_start3A_1089 = tpu.memref_slice %arg10[%rem3A_1010, %dma_start3A_1086, %dma_start3A_1087, %dma_start3A_1088] : memref<3x4x32x128xf32, #tpu.memory_space<vmem>> -> memref<1x1x32x128xf32, #tpu.memory_space<vmem>>
        %dma_start3A_1090 = tpu.memref_squeeze %dma_start3A_1089 : memref<1x1x32x128xf32, #tpu.memory_space<vmem>> -> memref<32x128xf32, #tpu.memory_space<vmem>>
        %dma_start3A_1091 = arith.constant 0 : i32
        %dma_start3A_1092 = tpu.memref_slice %arg5[%dma_start3A_1091, %multiple_of3A_1085] : memref<32x1000000xf32, #tpu.memory_space<hbm>> -> memref<32x128xf32, #tpu.memory_space<hbm>>
        %dma_start3A_1093 = arith.constant 0 : i32
        %dma_start3A_1094 = arith.constant 0 : i32
        %dma_start3A_1095 = tpu.memref_slice %arg10[%rem3A_1010, %dma_start3A_1086, %dma_start3A_1093, %dma_start3A_1094] : memref<3x4x32x128xf32, #tpu.memory_space<vmem>> -> memref<1x1x32x128xf32, #tpu.memory_space<vmem>>
        %dma_start3A_1096 = tpu.memref_squeeze %dma_start3A_1095 : memref<1x1x32x128xf32, #tpu.memory_space<vmem>> -> memref<32x128xf32, #tpu.memory_space<vmem>>
        %dma_start3A_1097 = arith.constant 0 : i32
        %dma_start3A_1098 = tpu.memref_slice %arg5[%dma_start3A_1097, %multiple_of3A_1085] : memref<32x1000000xf32, #tpu.memory_space<hbm>> -> memref<32x128xf32, #tpu.memory_space<hbm>>
        tpu.enqueue_dma source(%dma_start3A_1098 : memref<32x128xf32, #tpu.memory_space<hbm>>) target(%dma_start3A_1096 : memref<32x128xf32, #tpu.memory_space<vmem>>) target_semaphore(%arg13 : memref<!tpu.dma_semaphore, #tpu.memory_space<semaphore_mem>>)
        %slice3A_1099 = vector.extract_strided_slice %get3A_1014 {offsets = [2], sizes = [1], strides = [1]} : vector<16xi32> to vector<1xi32>
        %squeeze3A_1100 = vector.extract %slice3A_1099[0] : i32 from vector<1xi32>
        %shift_right_logical3A_1101 = arith.constant 7 : i32
        %shift_right_logical3A_1102 = arith.shrui %squeeze3A_1100, %shift_right_logical3A_1101 : i32
        %slice3A_1103 = vector.extract_strided_slice %get3A_1018 {offsets = [2], sizes = [1], strides = [1]} : vector<16xi32> to vector<1xi32>
        %squeeze3A_1104 = vector.extract %slice3A_1103[0] : i32 from vector<1xi32>
        %shift_right_logical3A_1105 = arith.constant 7 : i32
        %shift_right_logical3A_1106 = arith.shrui %squeeze3A_1104, %shift_right_logical3A_1105 : i32
        %mul3A_1107 = arith.constant 128 : i32
        %mul3A_1108 = arith.muli %shift_right_logical3A_1102, %mul3A_1107 : i32
        %multiple_of3A_1109 = tpu.assume_multiple %mul3A_1108, 128 : i32
        %dma_start3A_1110 = arith.constant 2 : i32
        %dma_start3A_1111 = arith.constant 0 : i32
        %dma_start3A_1112 = arith.constant 0 : i32
        %dma_start3A_1113 = tpu.memref_slice %arg9[%rem3A_1010, %dma_start3A_1110, %dma_start3A_1111, %dma_start3A_1112] : memref<3x4x32x128xf32, #tpu.memory_space<vmem>> -> memref<1x1x32x128xf32, #tpu.memory_space<vmem>>
        %dma_start3A_1114 = tpu.memref_squeeze %dma_start3A_1113 : memref<1x1x32x128xf32, #tpu.memory_space<vmem>> -> memref<32x128xf32, #tpu.memory_space<vmem>>
        %dma_start3A_1115 = arith.constant 0 : i32
        %dma_start3A_1116 = tpu.memref_slice %arg4[%dma_start3A_1115, %multiple_of3A_1109] : memref<32x1000000xf32, #tpu.memory_space<hbm>> -> memref<32x128xf32, #tpu.memory_space<hbm>>
        %dma_start3A_1117 = arith.constant 0 : i32
        %dma_start3A_1118 = arith.constant 0 : i32
        %dma_start3A_1119 = tpu.memref_slice %arg9[%rem3A_1010, %dma_start3A_1110, %dma_start3A_1117, %dma_start3A_1118] : memref<3x4x32x128xf32, #tpu.memory_space<vmem>> -> memref<1x1x32x128xf32, #tpu.memory_space<vmem>>
        %dma_start3A_1120 = tpu.memref_squeeze %dma_start3A_1119 : memref<1x1x32x128xf32, #tpu.memory_space<vmem>> -> memref<32x128xf32, #tpu.memory_space<vmem>>
        %dma_start3A_1121 = arith.constant 0 : i32
        %dma_start3A_1122 = tpu.memref_slice %arg4[%dma_start3A_1121, %multiple_of3A_1109] : memref<32x1000000xf32, #tpu.memory_space<hbm>> -> memref<32x128xf32, #tpu.memory_space<hbm>>
        tpu.enqueue_dma source(%dma_start3A_1122 : memref<32x128xf32, #tpu.memory_space<hbm>>) target(%dma_start3A_1120 : memref<32x128xf32, #tpu.memory_space<vmem>>) target_semaphore(%arg12 : memref<!tpu.dma_semaphore, #tpu.memory_space<semaphore_mem>>)
        %mul3A_1123 = arith.constant 128 : i32
        %mul3A_1124 = arith.muli %shift_right_logical3A_1106, %mul3A_1123 : i32
        %multiple_of3A_1125 = tpu.assume_multiple %mul3A_1124, 128 : i32
        %dma_start3A_1126 = arith.constant 2 : i32
        %dma_start3A_1127 = arith.constant 0 : i32
        %dma_start3A_1128 = arith.constant 0 : i32
        %dma_start3A_1129 = tpu.memref_slice %arg10[%rem3A_1010, %dma_start3A_1126, %dma_start3A_1127, %dma_start3A_1128] : memref<3x4x32x128xf32, #tpu.memory_space<vmem>> -> memref<1x1x32x128xf32, #tpu.memory_space<vmem>>
        %dma_start3A_1130 = tpu.memref_squeeze %dma_start3A_1129 : memref<1x1x32x128xf32, #tpu.memory_space<vmem>> -> memref<32x128xf32, #tpu.memory_space<vmem>>
        %dma_start3A_1131 = arith.constant 0 : i32
        %dma_start3A_1132 = tpu.memref_slice %arg5[%dma_start3A_1131, %multiple_of3A_1125] : memref<32x1000000xf32, #tpu.memory_space<hbm>> -> memref<32x128xf32, #tpu.memory_space<hbm>>
        %dma_start3A_1133 = arith.constant 0 : i32
        %dma_start3A_1134 = arith.constant 0 : i32
        %dma_start3A_1135 = tpu.memref_slice %arg10[%rem3A_1010, %dma_start3A_1126, %dma_start3A_1133, %dma_start3A_1134] : memref<3x4x32x128xf32, #tpu.memory_space<vmem>> -> memref<1x1x32x128xf32, #tpu.memory_space<vmem>>
        %dma_start3A_1136 = tpu.memref_squeeze %dma_start3A_1135 : memref<1x1x32x128xf32, #tpu.memory_space<vmem>> -> memref<32x128xf32, #tpu.memory_space<vmem>>
        %dma_start3A_1137 = arith.constant 0 : i32
        %dma_start3A_1138 = tpu.memref_slice %arg5[%dma_start3A_1137, %multiple_of3A_1125] : memref<32x1000000xf32, #tpu.memory_space<hbm>> -> memref<32x128xf32, #tpu.memory_space<hbm>>
        tpu.enqueue_dma source(%dma_start3A_1138 : memref<32x128xf32, #tpu.memory_space<hbm>>) target(%dma_start3A_1136 : memref<32x128xf32, #tpu.memory_space<vmem>>) target_semaphore(%arg13 : memref<!tpu.dma_semaphore, #tpu.memory_space<semaphore_mem>>)
        %slice3A_1139 = vector.extract_strided_slice %get3A_1014 {offsets = [3], sizes = [1], strides = [1]} : vector<16xi32> to vector<1xi32>
        %squeeze3A_1140 = vector.extract %slice3A_1139[0] : i32 from vector<1xi32>
        %shift_right_logical3A_1141 = arith.constant 7 : i32
        %shift_right_logical3A_1142 = arith.shrui %squeeze3A_1140, %shift_right_logical3A_1141 : i32
        %slice3A_1143 = vector.extract_strided_slice %get3A_1018 {offsets = [3], sizes = [1], strides = [1]} : vector<16xi32> to vector<1xi32>
        %squeeze3A_1144 = vector.extract %slice3A_1143[0] : i32 from vector<1xi32>
        %shift_right_logical3A_1145 = arith.constant 7 : i32
        %shift_right_logical3A_1146 = arith.shrui %squeeze3A_1144, %shift_right_logical3A_1145 : i32
        %mul3A_1147 = arith.constant 128 : i32
        %mul3A_1148 = arith.muli %shift_right_logical3A_1142, %mul3A_1147 : i32
        %multiple_of3A_1149 = tpu.assume_multiple %mul3A_1148, 128 : i32
        %dma_start3A_1150 = arith.constant 3 : i32
        %dma_start3A_1151 = arith.constant 0 : i32
        %dma_start3A_1152 = arith.constant 0 : i32
        %dma_start3A_1153 = tpu.memref_slice %arg9[%rem3A_1010, %dma_start3A_1150, %dma_start3A_1151, %dma_start3A_1152] : memref<3x4x32x128xf32, #tpu.memory_space<vmem>> -> memref<1x1x32x128xf32, #tpu.memory_space<vmem>>
        %dma_start3A_1154 = tpu.memref_squeeze %dma_start3A_1153 : memref<1x1x32x128xf32, #tpu.memory_space<vmem>> -> memref<32x128xf32, #tpu.memory_space<vmem>>
        %dma_start3A_1155 = arith.constant 0 : i32
        %dma_start3A_1156 = tpu.memref_slice %arg4[%dma_start3A_1155, %multiple_of3A_1149] : memref<32x1000000xf32, #tpu.memory_space<hbm>> -> memref<32x128xf32, #tpu.memory_space<hbm>>
        %dma_start3A_1157 = arith.constant 0 : i32
        %dma_start3A_1158 = arith.constant 0 : i32
        %dma_start3A_1159 = tpu.memref_slice %arg9[%rem3A_1010, %dma_start3A_1150, %dma_start3A_1157, %dma_start3A_1158] : memref<3x4x32x128xf32, #tpu.memory_space<vmem>> -> memref<1x1x32x128xf32, #tpu.memory_space<vmem>>
        %dma_start3A_1160 = tpu.memref_squeeze %dma_start3A_1159 : memref<1x1x32x128xf32, #tpu.memory_space<vmem>> -> memref<32x128xf32, #tpu.memory_space<vmem>>
        %dma_start3A_1161 = arith.constant 0 : i32
        %dma_start3A_1162 = tpu.memref_slice %arg4[%dma_start3A_1161, %multiple_of3A_1149] : memref<32x1000000xf32, #tpu.memory_space<hbm>> -> memref<32x128xf32, #tpu.memory_space<hbm>>
        tpu.enqueue_dma source(%dma_start3A_1162 : memref<32x128xf32, #tpu.memory_space<hbm>>) target(%dma_start3A_1160 : memref<32x128xf32, #tpu.memory_space<vmem>>) target_semaphore(%arg12 : memref<!tpu.dma_semaphore, #tpu.memory_space<semaphore_mem>>)
        %mul3A_1163 = arith.constant 128 : i32
        %mul3A_1164 = arith.muli %shift_right_logical3A_1146, %mul3A_1163 : i32
        %multiple_of3A_1165 = tpu.assume_multiple %mul3A_1164, 128 : i32
        %dma_start3A_1166 = arith.constant 3 : i32
        %dma_start3A_1167 = arith.constant 0 : i32
        %dma_start3A_1168 = arith.constant 0 : i32
        %dma_start3A_1169 = tpu.memref_slice %arg10[%rem3A_1010, %dma_start3A_1166, %dma_start3A_1167, %dma_start3A_1168] : memref<3x4x32x128xf32, #tpu.memory_space<vmem>> -> memref<1x1x32x128xf32, #tpu.memory_space<vmem>>
        %dma_start3A_1170 = tpu.memref_squeeze %dma_start3A_1169 : memref<1x1x32x128xf32, #tpu.memory_space<vmem>> -> memref<32x128xf32, #tpu.memory_space<vmem>>
        %dma_start3A_1171 = arith.constant 0 : i32
        %dma_start3A_1172 = tpu.memref_slice %arg5[%dma_start3A_1171, %multiple_of3A_1165] : memref<32x1000000xf32, #tpu.memory_space<hbm>> -> memref<32x128xf32, #tpu.memory_space<hbm>>
        %dma_start3A_1173 = arith.constant 0 : i32
        %dma_start3A_1174 = arith.constant 0 : i32
        %dma_start3A_1175 = tpu.memref_slice %arg10[%rem3A_1010, %dma_start3A_1166, %dma_start3A_1173, %dma_start3A_1174] : memref<3x4x32x128xf32, #tpu.memory_space<vmem>> -> memref<1x1x32x128xf32, #tpu.memory_space<vmem>>
        %dma_start3A_1176 = tpu.memref_squeeze %dma_start3A_1175 : memref<1x1x32x128xf32, #tpu.memory_space<vmem>> -> memref<32x128xf32, #tpu.memory_space<vmem>>
        %dma_start3A_1177 = arith.constant 0 : i32
        %dma_start3A_1178 = tpu.memref_slice %arg5[%dma_start3A_1177, %multiple_of3A_1165] : memref<32x1000000xf32, #tpu.memory_space<hbm>> -> memref<32x128xf32, #tpu.memory_space<hbm>>
        tpu.enqueue_dma source(%dma_start3A_1178 : memref<32x128xf32, #tpu.memory_space<hbm>>) target(%dma_start3A_1176 : memref<32x128xf32, #tpu.memory_space<vmem>>) target_semaphore(%arg13 : memref<!tpu.dma_semaphore, #tpu.memory_space<semaphore_mem>>)
      } else {
      }
      %rem3A_357 = arith.constant 3 : i32
      %rem3A_358 = arith.remsi %scan3A_351, %rem3A_357 : i32
      %dma_wait3A = arith.constant 0 : i32
      %dma_wait3A_359 = arith.constant 0 : i32
      %dma_wait3A_360 = arith.constant 0 : i32
      %dma_wait3A_361 = tpu.memref_slice %arg9[%rem3A_358, %dma_wait3A, %dma_wait3A_359, %dma_wait3A_360] : memref<3x4x32x128xf32, #tpu.memory_space<vmem>> -> memref<1x1x32x128xf32, #tpu.memory_space<vmem>>
      %dma_wait3A_362 = tpu.memref_squeeze %dma_wait3A_361 : memref<1x1x32x128xf32, #tpu.memory_space<vmem>> -> memref<32x128xf32, #tpu.memory_space<vmem>>
      %dma_wait3A_363 = arith.constant 0 : i32
      %dma_wait3A_364 = arith.constant 0 : i32
      %dma_wait3A_365 = tpu.memref_slice %arg4[%dma_wait3A_363, %dma_wait3A_364] : memref<32x1000000xf32, #tpu.memory_space<hbm>> -> memref<32x128xf32, #tpu.memory_space<hbm>>
      %dma_wait3A_366 = arith.constant 0 : i32
      %dma_wait3A_367 = arith.constant 0 : i32
      %dma_wait3A_368 = tpu.memref_slice %arg9[%rem3A_358, %dma_wait3A, %dma_wait3A_366, %dma_wait3A_367] : memref<3x4x32x128xf32, #tpu.memory_space<vmem>> -> memref<1x1x32x128xf32, #tpu.memory_space<vmem>>
      %dma_wait3A_369 = tpu.memref_squeeze %dma_wait3A_368 : memref<1x1x32x128xf32, #tpu.memory_space<vmem>> -> memref<32x128xf32, #tpu.memory_space<vmem>>
      %dma_wait3A_370 = arith.constant 0 : i32
      %dma_wait3A_371 = arith.constant 0 : i32
      %dma_wait3A_372 = tpu.memref_slice %arg4[%dma_wait3A_370, %dma_wait3A_371] : memref<32x1000000xf32, #tpu.memory_space<hbm>> -> memref<32x128xf32, #tpu.memory_space<hbm>>
      tpu.wait_dma2 semaphore(%arg12 : memref<!tpu.dma_semaphore, #tpu.memory_space<semaphore_mem>>) src(%dma_wait3A_372 : memref<32x128xf32, #tpu.memory_space<hbm>>) dst(%dma_wait3A_369 : memref<32x128xf32, #tpu.memory_space<vmem>>)
      %dma_wait3A_373 = arith.constant 0 : i32
      %dma_wait3A_374 = arith.constant 0 : i32
      %dma_wait3A_375 = arith.constant 0 : i32
      %dma_wait3A_376 = tpu.memref_slice %arg10[%rem3A_358, %dma_wait3A_373, %dma_wait3A_374, %dma_wait3A_375] : memref<3x4x32x128xf32, #tpu.memory_space<vmem>> -> memref<1x1x32x128xf32, #tpu.memory_space<vmem>>
      %dma_wait3A_377 = tpu.memref_squeeze %dma_wait3A_376 : memref<1x1x32x128xf32, #tpu.memory_space<vmem>> -> memref<32x128xf32, #tpu.memory_space<vmem>>
      %dma_wait3A_378 = arith.constant 0 : i32
      %dma_wait3A_379 = arith.constant 0 : i32
      %dma_wait3A_380 = tpu.memref_slice %arg5[%dma_wait3A_378, %dma_wait3A_379] : memref<32x1000000xf32, #tpu.memory_space<hbm>> -> memref<32x128xf32, #tpu.memory_space<hbm>>
      %dma_wait3A_381 = arith.constant 0 : i32
      %dma_wait3A_382 = arith.constant 0 : i32
      %dma_wait3A_383 = tpu.memref_slice %arg10[%rem3A_358, %dma_wait3A_373, %dma_wait3A_381, %dma_wait3A_382] : memref<3x4x32x128xf32, #tpu.memory_space<vmem>> -> memref<1x1x32x128xf32, #tpu.memory_space<vmem>>
      %dma_wait3A_384 = tpu.memref_squeeze %dma_wait3A_383 : memref<1x1x32x128xf32, #tpu.memory_space<vmem>> -> memref<32x128xf32, #tpu.memory_space<vmem>>
      %dma_wait3A_385 = arith.constant 0 : i32
      %dma_wait3A_386 = arith.constant 0 : i32
      %dma_wait3A_387 = tpu.memref_slice %arg5[%dma_wait3A_385, %dma_wait3A_386] : memref<32x1000000xf32, #tpu.memory_space<hbm>> -> memref<32x128xf32, #tpu.memory_space<hbm>>
      tpu.wait_dma2 semaphore(%arg13 : memref<!tpu.dma_semaphore, #tpu.memory_space<semaphore_mem>>) src(%dma_wait3A_387 : memref<32x128xf32, #tpu.memory_space<hbm>>) dst(%dma_wait3A_384 : memref<32x128xf32, #tpu.memory_space<vmem>>)
      %dma_wait3A_388 = arith.constant 1 : i32
      %dma_wait3A_389 = arith.constant 0 : i32
      %dma_wait3A_390 = arith.constant 0 : i32
      %dma_wait3A_391 = tpu.memref_slice %arg9[%rem3A_358, %dma_wait3A_388, %dma_wait3A_389, %dma_wait3A_390] : memref<3x4x32x128xf32, #tpu.memory_space<vmem>> -> memref<1x1x32x128xf32, #tpu.memory_space<vmem>>
      %dma_wait3A_392 = tpu.memref_squeeze %dma_wait3A_391 : memref<1x1x32x128xf32, #tpu.memory_space<vmem>> -> memref<32x128xf32, #tpu.memory_space<vmem>>
      %dma_wait3A_393 = arith.constant 0 : i32
      %dma_wait3A_394 = arith.constant 0 : i32
      %dma_wait3A_395 = tpu.memref_slice %arg4[%dma_wait3A_393, %dma_wait3A_394] : memref<32x1000000xf32, #tpu.memory_space<hbm>> -> memref<32x128xf32, #tpu.memory_space<hbm>>
      %dma_wait3A_396 = arith.constant 0 : i32
      %dma_wait3A_397 = arith.constant 0 : i32
      %dma_wait3A_398 = tpu.memref_slice %arg9[%rem3A_358, %dma_wait3A_388, %dma_wait3A_396, %dma_wait3A_397] : memref<3x4x32x128xf32, #tpu.memory_space<vmem>> -> memref<1x1x32x128xf32, #tpu.memory_space<vmem>>
      %dma_wait3A_399 = tpu.memref_squeeze %dma_wait3A_398 : memref<1x1x32x128xf32, #tpu.memory_space<vmem>> -> memref<32x128xf32, #tpu.memory_space<vmem>>
      %dma_wait3A_400 = arith.constant 0 : i32
      %dma_wait3A_401 = arith.constant 0 : i32
      %dma_wait3A_402 = tpu.memref_slice %arg4[%dma_wait3A_400, %dma_wait3A_401] : memref<32x1000000xf32, #tpu.memory_space<hbm>> -> memref<32x128xf32, #tpu.memory_space<hbm>>
      tpu.wait_dma2 semaphore(%arg12 : memref<!tpu.dma_semaphore, #tpu.memory_space<semaphore_mem>>) src(%dma_wait3A_402 : memref<32x128xf32, #tpu.memory_space<hbm>>) dst(%dma_wait3A_399 : memref<32x128xf32, #tpu.memory_space<vmem>>)
      %dma_wait3A_403 = arith.constant 1 : i32
      %dma_wait3A_404 = arith.constant 0 : i32
      %dma_wait3A_405 = arith.constant 0 : i32
      %dma_wait3A_406 = tpu.memref_slice %arg10[%rem3A_358, %dma_wait3A_403, %dma_wait3A_404, %dma_wait3A_405] : memref<3x4x32x128xf32, #tpu.memory_space<vmem>> -> memref<1x1x32x128xf32, #tpu.memory_space<vmem>>
      %dma_wait3A_407 = tpu.memref_squeeze %dma_wait3A_406 : memref<1x1x32x128xf32, #tpu.memory_space<vmem>> -> memref<32x128xf32, #tpu.memory_space<vmem>>
      %dma_wait3A_408 = arith.constant 0 : i32
      %dma_wait3A_409 = arith.constant 0 : i32
      %dma_wait3A_410 = tpu.memref_slice %arg5[%dma_wait3A_408, %dma_wait3A_409] : memref<32x1000000xf32, #tpu.memory_space<hbm>> -> memref<32x128xf32, #tpu.memory_space<hbm>>
      %dma_wait3A_411 = arith.constant 0 : i32
      %dma_wait3A_412 = arith.constant 0 : i32
      %dma_wait3A_413 = tpu.memref_slice %arg10[%rem3A_358, %dma_wait3A_403, %dma_wait3A_411, %dma_wait3A_412] : memref<3x4x32x128xf32, #tpu.memory_space<vmem>> -> memref<1x1x32x128xf32, #tpu.memory_space<vmem>>
      %dma_wait3A_414 = tpu.memref_squeeze %dma_wait3A_413 : memref<1x1x32x128xf32, #tpu.memory_space<vmem>> -> memref<32x128xf32, #tpu.memory_space<vmem>>
      %dma_wait3A_415 = arith.constant 0 : i32
      %dma_wait3A_416 = arith.constant 0 : i32
      %dma_wait3A_417 = tpu.memref_slice %arg5[%dma_wait3A_415, %dma_wait3A_416] : memref<32x1000000xf32, #tpu.memory_space<hbm>> -> memref<32x128xf32, #tpu.memory_space<hbm>>
      tpu.wait_dma2 semaphore(%arg13 : memref<!tpu.dma_semaphore, #tpu.memory_space<semaphore_mem>>) src(%dma_wait3A_417 : memref<32x128xf32, #tpu.memory_space<hbm>>) dst(%dma_wait3A_414 : memref<32x128xf32, #tpu.memory_space<vmem>>)
      %dma_wait3A_418 = arith.constant 2 : i32
      %dma_wait3A_419 = arith.constant 0 : i32
      %dma_wait3A_420 = arith.constant 0 : i32
      %dma_wait3A_421 = tpu.memref_slice %arg9[%rem3A_358, %dma_wait3A_418, %dma_wait3A_419, %dma_wait3A_420] : memref<3x4x32x128xf32, #tpu.memory_space<vmem>> -> memref<1x1x32x128xf32, #tpu.memory_space<vmem>>
      %dma_wait3A_422 = tpu.memref_squeeze %dma_wait3A_421 : memref<1x1x32x128xf32, #tpu.memory_space<vmem>> -> memref<32x128xf32, #tpu.memory_space<vmem>>
      %dma_wait3A_423 = arith.constant 0 : i32
      %dma_wait3A_424 = arith.constant 0 : i32
      %dma_wait3A_425 = tpu.memref_slice %arg4[%dma_wait3A_423, %dma_wait3A_424] : memref<32x1000000xf32, #tpu.memory_space<hbm>> -> memref<32x128xf32, #tpu.memory_space<hbm>>
      %dma_wait3A_426 = arith.constant 0 : i32
      %dma_wait3A_427 = arith.constant 0 : i32
      %dma_wait3A_428 = tpu.memref_slice %arg9[%rem3A_358, %dma_wait3A_418, %dma_wait3A_426, %dma_wait3A_427] : memref<3x4x32x128xf32, #tpu.memory_space<vmem>> -> memref<1x1x32x128xf32, #tpu.memory_space<vmem>>
      %dma_wait3A_429 = tpu.memref_squeeze %dma_wait3A_428 : memref<1x1x32x128xf32, #tpu.memory_space<vmem>> -> memref<32x128xf32, #tpu.memory_space<vmem>>
      %dma_wait3A_430 = arith.constant 0 : i32
      %dma_wait3A_431 = arith.constant 0 : i32
      %dma_wait3A_432 = tpu.memref_slice %arg4[%dma_wait3A_430, %dma_wait3A_431] : memref<32x1000000xf32, #tpu.memory_space<hbm>> -> memref<32x128xf32, #tpu.memory_space<hbm>>
      tpu.wait_dma2 semaphore(%arg12 : memref<!tpu.dma_semaphore, #tpu.memory_space<semaphore_mem>>) src(%dma_wait3A_432 : memref<32x128xf32, #tpu.memory_space<hbm>>) dst(%dma_wait3A_429 : memref<32x128xf32, #tpu.memory_space<vmem>>)
      %dma_wait3A_433 = arith.constant 2 : i32
      %dma_wait3A_434 = arith.constant 0 : i32
      %dma_wait3A_435 = arith.constant 0 : i32
      %dma_wait3A_436 = tpu.memref_slice %arg10[%rem3A_358, %dma_wait3A_433, %dma_wait3A_434, %dma_wait3A_435] : memref<3x4x32x128xf32, #tpu.memory_space<vmem>> -> memref<1x1x32x128xf32, #tpu.memory_space<vmem>>
      %dma_wait3A_437 = tpu.memref_squeeze %dma_wait3A_436 : memref<1x1x32x128xf32, #tpu.memory_space<vmem>> -> memref<32x128xf32, #tpu.memory_space<vmem>>
      %dma_wait3A_438 = arith.constant 0 : i32
      %dma_wait3A_439 = arith.constant 0 : i32
      %dma_wait3A_440 = tpu.memref_slice %arg5[%dma_wait3A_438, %dma_wait3A_439] : memref<32x1000000xf32, #tpu.memory_space<hbm>> -> memref<32x128xf32, #tpu.memory_space<hbm>>
      %dma_wait3A_441 = arith.constant 0 : i32
      %dma_wait3A_442 = arith.constant 0 : i32
      %dma_wait3A_443 = tpu.memref_slice %arg10[%rem3A_358, %dma_wait3A_433, %dma_wait3A_441, %dma_wait3A_442] : memref<3x4x32x128xf32, #tpu.memory_space<vmem>> -> memref<1x1x32x128xf32, #tpu.memory_space<vmem>>
      %dma_wait3A_444 = tpu.memref_squeeze %dma_wait3A_443 : memref<1x1x32x128xf32, #tpu.memory_space<vmem>> -> memref<32x128xf32, #tpu.memory_space<vmem>>
      %dma_wait3A_445 = arith.constant 0 : i32
      %dma_wait3A_446 = arith.constant 0 : i32
      %dma_wait3A_447 = tpu.memref_slice %arg5[%dma_wait3A_445, %dma_wait3A_446] : memref<32x1000000xf32, #tpu.memory_space<hbm>> -> memref<32x128xf32, #tpu.memory_space<hbm>>
      tpu.wait_dma2 semaphore(%arg13 : memref<!tpu.dma_semaphore, #tpu.memory_space<semaphore_mem>>) src(%dma_wait3A_447 : memref<32x128xf32, #tpu.memory_space<hbm>>) dst(%dma_wait3A_444 : memref<32x128xf32, #tpu.memory_space<vmem>>)
      %dma_wait3A_448 = arith.constant 3 : i32
      %dma_wait3A_449 = arith.constant 0 : i32
      %dma_wait3A_450 = arith.constant 0 : i32
      %dma_wait3A_451 = tpu.memref_slice %arg9[%rem3A_358, %dma_wait3A_448, %dma_wait3A_449, %dma_wait3A_450] : memref<3x4x32x128xf32, #tpu.memory_space<vmem>> -> memref<1x1x32x128xf32, #tpu.memory_space<vmem>>
      %dma_wait3A_452 = tpu.memref_squeeze %dma_wait3A_451 : memref<1x1x32x128xf32, #tpu.memory_space<vmem>> -> memref<32x128xf32, #tpu.memory_space<vmem>>
      %dma_wait3A_453 = arith.constant 0 : i32
      %dma_wait3A_454 = arith.constant 0 : i32
      %dma_wait3A_455 = tpu.memref_slice %arg4[%dma_wait3A_453, %dma_wait3A_454] : memref<32x1000000xf32, #tpu.memory_space<hbm>> -> memref<32x128xf32, #tpu.memory_space<hbm>>
      %dma_wait3A_456 = arith.constant 0 : i32
      %dma_wait3A_457 = arith.constant 0 : i32
      %dma_wait3A_458 = tpu.memref_slice %arg9[%rem3A_358, %dma_wait3A_448, %dma_wait3A_456, %dma_wait3A_457] : memref<3x4x32x128xf32, #tpu.memory_space<vmem>> -> memref<1x1x32x128xf32, #tpu.memory_space<vmem>>
      %dma_wait3A_459 = tpu.memref_squeeze %dma_wait3A_458 : memref<1x1x32x128xf32, #tpu.memory_space<vmem>> -> memref<32x128xf32, #tpu.memory_space<vmem>>
      %dma_wait3A_460 = arith.constant 0 : i32
      %dma_wait3A_461 = arith.constant 0 : i32
      %dma_wait3A_462 = tpu.memref_slice %arg4[%dma_wait3A_460, %dma_wait3A_461] : memref<32x1000000xf32, #tpu.memory_space<hbm>> -> memref<32x128xf32, #tpu.memory_space<hbm>>
      tpu.wait_dma2 semaphore(%arg12 : memref<!tpu.dma_semaphore, #tpu.memory_space<semaphore_mem>>) src(%dma_wait3A_462 : memref<32x128xf32, #tpu.memory_space<hbm>>) dst(%dma_wait3A_459 : memref<32x128xf32, #tpu.memory_space<vmem>>)
      %dma_wait3A_463 = arith.constant 3 : i32
      %dma_wait3A_464 = arith.constant 0 : i32
      %dma_wait3A_465 = arith.constant 0 : i32
      %dma_wait3A_466 = tpu.memref_slice %arg10[%rem3A_358, %dma_wait3A_463, %dma_wait3A_464, %dma_wait3A_465] : memref<3x4x32x128xf32, #tpu.memory_space<vmem>> -> memref<1x1x32x128xf32, #tpu.memory_space<vmem>>
      %dma_wait3A_467 = tpu.memref_squeeze %dma_wait3A_466 : memref<1x1x32x128xf32, #tpu.memory_space<vmem>> -> memref<32x128xf32, #tpu.memory_space<vmem>>
      %dma_wait3A_468 = arith.constant 0 : i32
      %dma_wait3A_469 = arith.constant 0 : i32
      %dma_wait3A_470 = tpu.memref_slice %arg5[%dma_wait3A_468, %dma_wait3A_469] : memref<32x1000000xf32, #tpu.memory_space<hbm>> -> memref<32x128xf32, #tpu.memory_space<hbm>>
      %dma_wait3A_471 = arith.constant 0 : i32
      %dma_wait3A_472 = arith.constant 0 : i32
      %dma_wait3A_473 = tpu.memref_slice %arg10[%rem3A_358, %dma_wait3A_463, %dma_wait3A_471, %dma_wait3A_472] : memref<3x4x32x128xf32, #tpu.memory_space<vmem>> -> memref<1x1x32x128xf32, #tpu.memory_space<vmem>>
      %dma_wait3A_474 = tpu.memref_squeeze %dma_wait3A_473 : memref<1x1x32x128xf32, #tpu.memory_space<vmem>> -> memref<32x128xf32, #tpu.memory_space<vmem>>
      %dma_wait3A_475 = arith.constant 0 : i32
      %dma_wait3A_476 = arith.constant 0 : i32
      %dma_wait3A_477 = tpu.memref_slice %arg5[%dma_wait3A_475, %dma_wait3A_476] : memref<32x1000000xf32, #tpu.memory_space<hbm>> -> memref<32x128xf32, #tpu.memory_space<hbm>>
      tpu.wait_dma2 semaphore(%arg13 : memref<!tpu.dma_semaphore, #tpu.memory_space<semaphore_mem>>) src(%dma_wait3A_477 : memref<32x128xf32, #tpu.memory_space<hbm>>) dst(%dma_wait3A_474 : memref<32x128xf32, #tpu.memory_space<vmem>>)
      %mul3A_478 = arith.constant 4 : i32
      %mul3A_479 = arith.muli %scan3A_351, %mul3A_478 : i32
      %get3A_480 = arith.index_cast %mul3A_479 : i32 to index
      %get3A_481 = tpu.vector_load %arg7[%get3A_480] {strides = array<i32>} : memref<528xi32, #tpu.memory_space<vmem>>, vector<16xi32>,
      %mul3A_482 = arith.constant 4 : i32
      %mul3A_483 = arith.muli %scan3A_351, %mul3A_482 : i32
      %get3A_484 = arith.index_cast %mul3A_483 : i32 to index
      %get3A_485 = tpu.vector_load %arg8[%get3A_484] {strides = array<i32>} : memref<528xi32, #tpu.memory_space<vmem>>, vector<16xi32>,
      %and3A_486 = arith.constant 127 : i32
      %and3A_487 = vector.broadcast %and3A_486 : i32 to vector<16xi32>
      %and3A_488 = arith.andi %get3A_481, %and3A_487 : vector<16xi32>
      %and3A_489 = arith.constant 127 : i32
      %and3A_490 = vector.broadcast %and3A_489 : i32 to vector<16xi32>
      %and3A_491 = arith.andi %get3A_485, %and3A_490 : vector<16xi32>
      %broadcast_in_dim3A = arith.constant 0.000000e+00 : f32
      %broadcast_in_dim3A_492 = vector.broadcast %broadcast_in_dim3A : f32 to vector<16xf32>
      %broadcast_in_dim3A_493 = arith.constant 0 : i32
      %broadcast_in_dim3A_494 = vector.broadcast %broadcast_in_dim3A_493 : i32 to vector<16xi32>
      %gather3A = arith.constant 0 : i32
      %gather3A_495 = arith.constant 0 : i32
      %gather3A_496 = arith.constant 0 : i32
      %gather3A_497 = tpu.memref_slice %arg9[%rem3A_358, %gather3A, %gather3A_495, %gather3A_496] : memref<3x4x32x128xf32, #tpu.memory_space<vmem>> -> memref<1x4x32x128xf32, #tpu.memory_space<vmem>>
      %gather3A_498 = tpu.memref_squeeze %gather3A_497 : memref<1x4x32x128xf32, #tpu.memory_space<vmem>> -> memref<4x32x128xf32, #tpu.memory_space<vmem>>
      %gather3A_499 = tpu.vector_load_idx %gather3A_498[%and3A_4, %broadcast_in_dim3A_494, %and3A_488] : memref<4x32x128xf32, #tpu.memory_space<vmem>>[vector<16xi32>, vector<16xi32>, vector<16xi32>], vector<16xf32>,
      %gather3A_500 = arith.constant 0 : i32
      %gather3A_501 = arith.constant 0 : i32
      %gather3A_502 = arith.constant 0 : i32
      %gather3A_503 = tpu.memref_slice %arg10[%rem3A_358, %gather3A_500, %gather3A_501, %gather3A_502] : memref<3x4x32x128xf32, #tpu.memory_space<vmem>> -> memref<1x4x32x128xf32, #tpu.memory_space<vmem>>
      %gather3A_504 = tpu.memref_squeeze %gather3A_503 : memref<1x4x32x128xf32, #tpu.memory_space<vmem>> -> memref<4x32x128xf32, #tpu.memory_space<vmem>>
      %gather3A_505 = tpu.vector_load_idx %gather3A_504[%and3A_4, %broadcast_in_dim3A_494, %and3A_491] : memref<4x32x128xf32, #tpu.memory_space<vmem>>[vector<16xi32>, vector<16xi32>, vector<16xi32>], vector<16xf32>,
      %mul3A_506 = arith.mulf %gather3A_499, %gather3A_505 : vector<16xf32>
      %add3A_507 = arith.addf %broadcast_in_dim3A_492, %mul3A_506 : vector<16xf32>
      %broadcast_in_dim3A_508 = arith.constant 1 : i32
      %broadcast_in_dim3A_509 = vector.broadcast %broadcast_in_dim3A_508 : i32 to vector<16xi32>
      %gather3A_510 = arith.constant 0 : i32
      %gather3A_511 = arith.constant 0 : i32
      %gather3A_512 = arith.constant 0 : i32
      %gather3A_513 = tpu.memref_slice %arg9[%rem3A_358, %gather3A_510, %gather3A_511, %gather3A_512] : memref<3x4x32x128xf32, #tpu.memory_space<vmem>> -> memref<1x4x32x128xf32, #tpu.memory_space<vmem>>
      %gather3A_514 = tpu.memref_squeeze %gather3A_513 : memref<1x4x32x128xf32, #tpu.memory_space<vmem>> -> memref<4x32x128xf32, #tpu.memory_space<vmem>>
      %gather3A_515 = tpu.vector_load_idx %gather3A_514[%and3A_4, %broadcast_in_dim3A_509, %and3A_488] : memref<4x32x128xf32, #tpu.memory_space<vmem>>[vector<16xi32>, vector<16xi32>, vector<16xi32>], vector<16xf32>,
      %gather3A_516 = arith.constant 0 : i32
      %gather3A_517 = arith.constant 0 : i32
      %gather3A_518 = arith.constant 0 : i32
      %gather3A_519 = tpu.memref_slice %arg10[%rem3A_358, %gather3A_516, %gather3A_517, %gather3A_518] : memref<3x4x32x128xf32, #tpu.memory_space<vmem>> -> memref<1x4x32x128xf32, #tpu.memory_space<vmem>>
      %gather3A_520 = tpu.memref_squeeze %gather3A_519 : memref<1x4x32x128xf32, #tpu.memory_space<vmem>> -> memref<4x32x128xf32, #tpu.memory_space<vmem>>
      %gather3A_521 = tpu.vector_load_idx %gather3A_520[%and3A_4, %broadcast_in_dim3A_509, %and3A_491] : memref<4x32x128xf32, #tpu.memory_space<vmem>>[vector<16xi32>, vector<16xi32>, vector<16xi32>], vector<16xf32>,
      %mul3A_522 = arith.mulf %gather3A_515, %gather3A_521 : vector<16xf32>
      %add3A_523 = arith.addf %add3A_507, %mul3A_522 : vector<16xf32>
      %broadcast_in_dim3A_524 = arith.constant 2 : i32
      %broadcast_in_dim3A_525 = vector.broadcast %broadcast_in_dim3A_524 : i32 to vector<16xi32>
      %gather3A_526 = arith.constant 0 : i32
      %gather3A_527 = arith.constant 0 : i32
      %gather3A_528 = arith.constant 0 : i32
      %gather3A_529 = tpu.memref_slice %arg9[%rem3A_358, %gather3A_526, %gather3A_527, %gather3A_528] : memref<3x4x32x128xf32, #tpu.memory_space<vmem>> -> memref<1x4x32x128xf32, #tpu.memory_space<vmem>>
      %gather3A_530 = tpu.memref_squeeze %gather3A_529 : memref<1x4x32x128xf32, #tpu.memory_space<vmem>> -> memref<4x32x128xf32, #tpu.memory_space<vmem>>
      %gather3A_531 = tpu.vector_load_idx %gather3A_530[%and3A_4, %broadcast_in_dim3A_525, %and3A_488] : memref<4x32x128xf32, #tpu.memory_space<vmem>>[vector<16xi32>, vector<16xi32>, vector<16xi32>], vector<16xf32>,
      %gather3A_532 = arith.constant 0 : i32
      %gather3A_533 = arith.constant 0 : i32
      %gather3A_534 = arith.constant 0 : i32
      %gather3A_535 = tpu.memref_slice %arg10[%rem3A_358, %gather3A_532, %gather3A_533, %gather3A_534] : memref<3x4x32x128xf32, #tpu.memory_space<vmem>> -> memref<1x4x32x128xf32, #tpu.memory_space<vmem>>
      %gather3A_536 = tpu.memref_squeeze %gather3A_535 : memref<1x4x32x128xf32, #tpu.memory_space<vmem>> -> memref<4x32x128xf32, #tpu.memory_space<vmem>>
      %gather3A_537 = tpu.vector_load_idx %gather3A_536[%and3A_4, %broadcast_in_dim3A_525, %and3A_491] : memref<4x32x128xf32, #tpu.memory_space<vmem>>[vector<16xi32>, vector<16xi32>, vector<16xi32>], vector<16xf32>,
      %mul3A_538 = arith.mulf %gather3A_531, %gather3A_537 : vector<16xf32>
      %add3A_539 = arith.addf %add3A_523, %mul3A_538 : vector<16xf32>
      %broadcast_in_dim3A_540 = arith.constant 3 : i32
      %broadcast_in_dim3A_541 = vector.broadcast %broadcast_in_dim3A_540 : i32 to vector<16xi32>
      %gather3A_542 = arith.constant 0 : i32
      %gather3A_543 = arith.constant 0 : i32
      %gather3A_544 = arith.constant 0 : i32
      %gather3A_545 = tpu.memref_slice %arg9[%rem3A_358, %gather3A_542, %gather3A_543, %gather3A_544] : memref<3x4x32x128xf32, #tpu.memory_space<vmem>> -> memref<1x4x32x128xf32, #tpu.memory_space<vmem>>
      %gather3A_546 = tpu.memref_squeeze %gather3A_545 : memref<1x4x32x128xf32, #tpu.memory_space<vmem>> -> memref<4x32x128xf32, #tpu.memory_space<vmem>>
      %gather3A_547 = tpu.vector_load_idx %gather3A_546[%and3A_4, %broadcast_in_dim3A_541, %and3A_488] : memref<4x32x128xf32, #tpu.memory_space<vmem>>[vector<16xi32>, vector<16xi32>, vector<16xi32>], vector<16xf32>,
      %gather3A_548 = arith.constant 0 : i32
      %gather3A_549 = arith.constant 0 : i32
      %gather3A_550 = arith.constant 0 : i32
      %gather3A_551 = tpu.memref_slice %arg10[%rem3A_358, %gather3A_548, %gather3A_549, %gather3A_550] : memref<3x4x32x128xf32, #tpu.memory_space<vmem>> -> memref<1x4x32x128xf32, #tpu.memory_space<vmem>>
      %gather3A_552 = tpu.memref_squeeze %gather3A_551 : memref<1x4x32x128xf32, #tpu.memory_space<vmem>> -> memref<4x32x128xf32, #tpu.memory_space<vmem>>
      %gather3A_553 = tpu.vector_load_idx %gather3A_552[%and3A_4, %broadcast_in_dim3A_541, %and3A_491] : memref<4x32x128xf32, #tpu.memory_space<vmem>>[vector<16xi32>, vector<16xi32>, vector<16xi32>], vector<16xf32>,
      %mul3A_554 = arith.mulf %gather3A_547, %gather3A_553 : vector<16xf32>
      %add3A_555 = arith.addf %add3A_539, %mul3A_554 : vector<16xf32>
      %broadcast_in_dim3A_556 = arith.constant 4 : i32
      %broadcast_in_dim3A_557 = vector.broadcast %broadcast_in_dim3A_556 : i32 to vector<16xi32>
      %gather3A_558 = arith.constant 0 : i32
      %gather3A_559 = arith.constant 0 : i32
      %gather3A_560 = arith.constant 0 : i32
      %gather3A_561 = tpu.memref_slice %arg9[%rem3A_358, %gather3A_558, %gather3A_559, %gather3A_560] : memref<3x4x32x128xf32, #tpu.memory_space<vmem>> -> memref<1x4x32x128xf32, #tpu.memory_space<vmem>>
      %gather3A_562 = tpu.memref_squeeze %gather3A_561 : memref<1x4x32x128xf32, #tpu.memory_space<vmem>> -> memref<4x32x128xf32, #tpu.memory_space<vmem>>
      %gather3A_563 = tpu.vector_load_idx %gather3A_562[%and3A_4, %broadcast_in_dim3A_557, %and3A_488] : memref<4x32x128xf32, #tpu.memory_space<vmem>>[vector<16xi32>, vector<16xi32>, vector<16xi32>], vector<16xf32>,
      %gather3A_564 = arith.constant 0 : i32
      %gather3A_565 = arith.constant 0 : i32
      %gather3A_566 = arith.constant 0 : i32
      %gather3A_567 = tpu.memref_slice %arg10[%rem3A_358, %gather3A_564, %gather3A_565, %gather3A_566] : memref<3x4x32x128xf32, #tpu.memory_space<vmem>> -> memref<1x4x32x128xf32, #tpu.memory_space<vmem>>
      %gather3A_568 = tpu.memref_squeeze %gather3A_567 : memref<1x4x32x128xf32, #tpu.memory_space<vmem>> -> memref<4x32x128xf32, #tpu.memory_space<vmem>>
      %gather3A_569 = tpu.vector_load_idx %gather3A_568[%and3A_4, %broadcast_in_dim3A_557, %and3A_491] : memref<4x32x128xf32, #tpu.memory_space<vmem>>[vector<16xi32>, vector<16xi32>, vector<16xi32>], vector<16xf32>,
      %mul3A_570 = arith.mulf %gather3A_563, %gather3A_569 : vector<16xf32>
      %add3A_571 = arith.addf %add3A_555, %mul3A_570 : vector<16xf32>
      %broadcast_in_dim3A_572 = arith.constant 5 : i32
      %broadcast_in_dim3A_573 = vector.broadcast %broadcast_in_dim3A_572 : i32 to vector<16xi32>
      %gather3A_574 = arith.constant 0 : i32
      %gather3A_575 = arith.constant 0 : i32
      %gather3A_576 = arith.constant 0 : i32
      %gather3A_577 = tpu.memref_slice %arg9[%rem3A_358, %gather3A_574, %gather3A_575, %gather3A_576] : memref<3x4x32x128xf32, #tpu.memory_space<vmem>> -> memref<1x4x32x128xf32, #tpu.memory_space<vmem>>
      %gather3A_578 = tpu.memref_squeeze %gather3A_577 : memref<1x4x32x128xf32, #tpu.memory_space<vmem>> -> memref<4x32x128xf32, #tpu.memory_space<vmem>>
      %gather3A_579 = tpu.vector_load_idx %gather3A_578[%and3A_4, %broadcast_in_dim3A_573, %and3A_488] : memref<4x32x128xf32, #tpu.memory_space<vmem>>[vector<16xi32>, vector<16xi32>, vector<16xi32>], vector<16xf32>,
      %gather3A_580 = arith.constant 0 : i32
      %gather3A_581 = arith.constant 0 : i32
      %gather3A_582 = arith.constant 0 : i32
      %gather3A_583 = tpu.memref_slice %arg10[%rem3A_358, %gather3A_580, %gather3A_581, %gather3A_582] : memref<3x4x32x128xf32, #tpu.memory_space<vmem>> -> memref<1x4x32x128xf32, #tpu.memory_space<vmem>>
      %gather3A_584 = tpu.memref_squeeze %gather3A_583 : memref<1x4x32x128xf32, #tpu.memory_space<vmem>> -> memref<4x32x128xf32, #tpu.memory_space<vmem>>
      %gather3A_585 = tpu.vector_load_idx %gather3A_584[%and3A_4, %broadcast_in_dim3A_573, %and3A_491] : memref<4x32x128xf32, #tpu.memory_space<vmem>>[vector<16xi32>, vector<16xi32>, vector<16xi32>], vector<16xf32>,
      %mul3A_586 = arith.mulf %gather3A_579, %gather3A_585 : vector<16xf32>
      %add3A_587 = arith.addf %add3A_571, %mul3A_586 : vector<16xf32>
      %broadcast_in_dim3A_588 = arith.constant 6 : i32
      %broadcast_in_dim3A_589 = vector.broadcast %broadcast_in_dim3A_588 : i32 to vector<16xi32>
      %gather3A_590 = arith.constant 0 : i32
      %gather3A_591 = arith.constant 0 : i32
      %gather3A_592 = arith.constant 0 : i32
      %gather3A_593 = tpu.memref_slice %arg9[%rem3A_358, %gather3A_590, %gather3A_591, %gather3A_592] : memref<3x4x32x128xf32, #tpu.memory_space<vmem>> -> memref<1x4x32x128xf32, #tpu.memory_space<vmem>>
      %gather3A_594 = tpu.memref_squeeze %gather3A_593 : memref<1x4x32x128xf32, #tpu.memory_space<vmem>> -> memref<4x32x128xf32, #tpu.memory_space<vmem>>
      %gather3A_595 = tpu.vector_load_idx %gather3A_594[%and3A_4, %broadcast_in_dim3A_589, %and3A_488] : memref<4x32x128xf32, #tpu.memory_space<vmem>>[vector<16xi32>, vector<16xi32>, vector<16xi32>], vector<16xf32>,
      %gather3A_596 = arith.constant 0 : i32
      %gather3A_597 = arith.constant 0 : i32
      %gather3A_598 = arith.constant 0 : i32
      %gather3A_599 = tpu.memref_slice %arg10[%rem3A_358, %gather3A_596, %gather3A_597, %gather3A_598] : memref<3x4x32x128xf32, #tpu.memory_space<vmem>> -> memref<1x4x32x128xf32, #tpu.memory_space<vmem>>
      %gather3A_600 = tpu.memref_squeeze %gather3A_599 : memref<1x4x32x128xf32, #tpu.memory_space<vmem>> -> memref<4x32x128xf32, #tpu.memory_space<vmem>>
      %gather3A_601 = tpu.vector_load_idx %gather3A_600[%and3A_4, %broadcast_in_dim3A_589, %and3A_491] : memref<4x32x128xf32, #tpu.memory_space<vmem>>[vector<16xi32>, vector<16xi32>, vector<16xi32>], vector<16xf32>,
      %mul3A_602 = arith.mulf %gather3A_595, %gather3A_601 : vector<16xf32>
      %add3A_603 = arith.addf %add3A_587, %mul3A_602 : vector<16xf32>
      %broadcast_in_dim3A_604 = arith.constant 7 : i32
      %broadcast_in_dim3A_605 = vector.broadcast %broadcast_in_dim3A_604 : i32 to vector<16xi32>
      %gather3A_606 = arith.constant 0 : i32
      %gather3A_607 = arith.constant 0 : i32
      %gather3A_608 = arith.constant 0 : i32
      %gather3A_609 = tpu.memref_slice %arg9[%rem3A_358, %gather3A_606, %gather3A_607, %gather3A_608] : memref<3x4x32x128xf32, #tpu.memory_space<vmem>> -> memref<1x4x32x128xf32, #tpu.memory_space<vmem>>
      %gather3A_610 = tpu.memref_squeeze %gather3A_609 : memref<1x4x32x128xf32, #tpu.memory_space<vmem>> -> memref<4x32x128xf32, #tpu.memory_space<vmem>>
      %gather3A_611 = tpu.vector_load_idx %gather3A_610[%and3A_4, %broadcast_in_dim3A_605, %and3A_488] : memref<4x32x128xf32, #tpu.memory_space<vmem>>[vector<16xi32>, vector<16xi32>, vector<16xi32>], vector<16xf32>,
      %gather3A_612 = arith.constant 0 : i32
      %gather3A_613 = arith.constant 0 : i32
      %gather3A_614 = arith.constant 0 : i32
      %gather3A_615 = tpu.memref_slice %arg10[%rem3A_358, %gather3A_612, %gather3A_613, %gather3A_614] : memref<3x4x32x128xf32, #tpu.memory_space<vmem>> -> memref<1x4x32x128xf32, #tpu.memory_space<vmem>>
      %gather3A_616 = tpu.memref_squeeze %gather3A_615 : memref<1x4x32x128xf32, #tpu.memory_space<vmem>> -> memref<4x32x128xf32, #tpu.memory_space<vmem>>
      %gather3A_617 = tpu.vector_load_idx %gather3A_616[%and3A_4, %broadcast_in_dim3A_605, %and3A_491] : memref<4x32x128xf32, #tpu.memory_space<vmem>>[vector<16xi32>, vector<16xi32>, vector<16xi32>], vector<16xf32>,
      %mul3A_618 = arith.mulf %gather3A_611, %gather3A_617 : vector<16xf32>
      %add3A_619 = arith.addf %add3A_603, %mul3A_618 : vector<16xf32>
      %broadcast_in_dim3A_620 = arith.constant 8 : i32
      %broadcast_in_dim3A_621 = vector.broadcast %broadcast_in_dim3A_620 : i32 to vector<16xi32>
      %gather3A_622 = arith.constant 0 : i32
      %gather3A_623 = arith.constant 0 : i32
      %gather3A_624 = arith.constant 0 : i32
      %gather3A_625 = tpu.memref_slice %arg9[%rem3A_358, %gather3A_622, %gather3A_623, %gather3A_624] : memref<3x4x32x128xf32, #tpu.memory_space<vmem>> -> memref<1x4x32x128xf32, #tpu.memory_space<vmem>>
      %gather3A_626 = tpu.memref_squeeze %gather3A_625 : memref<1x4x32x128xf32, #tpu.memory_space<vmem>> -> memref<4x32x128xf32, #tpu.memory_space<vmem>>
      %gather3A_627 = tpu.vector_load_idx %gather3A_626[%and3A_4, %broadcast_in_dim3A_621, %and3A_488] : memref<4x32x128xf32, #tpu.memory_space<vmem>>[vector<16xi32>, vector<16xi32>, vector<16xi32>], vector<16xf32>,
      %gather3A_628 = arith.constant 0 : i32
      %gather3A_629 = arith.constant 0 : i32
      %gather3A_630 = arith.constant 0 : i32
      %gather3A_631 = tpu.memref_slice %arg10[%rem3A_358, %gather3A_628, %gather3A_629, %gather3A_630] : memref<3x4x32x128xf32, #tpu.memory_space<vmem>> -> memref<1x4x32x128xf32, #tpu.memory_space<vmem>>
      %gather3A_632 = tpu.memref_squeeze %gather3A_631 : memref<1x4x32x128xf32, #tpu.memory_space<vmem>> -> memref<4x32x128xf32, #tpu.memory_space<vmem>>
      %gather3A_633 = tpu.vector_load_idx %gather3A_632[%and3A_4, %broadcast_in_dim3A_621, %and3A_491] : memref<4x32x128xf32, #tpu.memory_space<vmem>>[vector<16xi32>, vector<16xi32>, vector<16xi32>], vector<16xf32>,
      %mul3A_634 = arith.mulf %gather3A_627, %gather3A_633 : vector<16xf32>
      %add3A_635 = arith.addf %add3A_619, %mul3A_634 : vector<16xf32>
      %broadcast_in_dim3A_636 = arith.constant 9 : i32
      %broadcast_in_dim3A_637 = vector.broadcast %broadcast_in_dim3A_636 : i32 to vector<16xi32>
      %gather3A_638 = arith.constant 0 : i32
      %gather3A_639 = arith.constant 0 : i32
      %gather3A_640 = arith.constant 0 : i32
      %gather3A_641 = tpu.memref_slice %arg9[%rem3A_358, %gather3A_638, %gather3A_639, %gather3A_640] : memref<3x4x32x128xf32, #tpu.memory_space<vmem>> -> memref<1x4x32x128xf32, #tpu.memory_space<vmem>>
      %gather3A_642 = tpu.memref_squeeze %gather3A_641 : memref<1x4x32x128xf32, #tpu.memory_space<vmem>> -> memref<4x32x128xf32, #tpu.memory_space<vmem>>
      %gather3A_643 = tpu.vector_load_idx %gather3A_642[%and3A_4, %broadcast_in_dim3A_637, %and3A_488] : memref<4x32x128xf32, #tpu.memory_space<vmem>>[vector<16xi32>, vector<16xi32>, vector<16xi32>], vector<16xf32>,
      %gather3A_644 = arith.constant 0 : i32
      %gather3A_645 = arith.constant 0 : i32
      %gather3A_646 = arith.constant 0 : i32
      %gather3A_647 = tpu.memref_slice %arg10[%rem3A_358, %gather3A_644, %gather3A_645, %gather3A_646] : memref<3x4x32x128xf32, #tpu.memory_space<vmem>> -> memref<1x4x32x128xf32, #tpu.memory_space<vmem>>
      %gather3A_648 = tpu.memref_squeeze %gather3A_647 : memref<1x4x32x128xf32, #tpu.memory_space<vmem>> -> memref<4x32x128xf32, #tpu.memory_space<vmem>>
      %gather3A_649 = tpu.vector_load_idx %gather3A_648[%and3A_4, %broadcast_in_dim3A_637, %and3A_491] : memref<4x32x128xf32, #tpu.memory_space<vmem>>[vector<16xi32>, vector<16xi32>, vector<16xi32>], vector<16xf32>,
      %mul3A_650 = arith.mulf %gather3A_643, %gather3A_649 : vector<16xf32>
      %add3A_651 = arith.addf %add3A_635, %mul3A_650 : vector<16xf32>
      %broadcast_in_dim3A_652 = arith.constant 10 : i32
      %broadcast_in_dim3A_653 = vector.broadcast %broadcast_in_dim3A_652 : i32 to vector<16xi32>
      %gather3A_654 = arith.constant 0 : i32
      %gather3A_655 = arith.constant 0 : i32
      %gather3A_656 = arith.constant 0 : i32
      %gather3A_657 = tpu.memref_slice %arg9[%rem3A_358, %gather3A_654, %gather3A_655, %gather3A_656] : memref<3x4x32x128xf32, #tpu.memory_space<vmem>> -> memref<1x4x32x128xf32, #tpu.memory_space<vmem>>
      %gather3A_658 = tpu.memref_squeeze %gather3A_657 : memref<1x4x32x128xf32, #tpu.memory_space<vmem>> -> memref<4x32x128xf32, #tpu.memory_space<vmem>>
      %gather3A_659 = tpu.vector_load_idx %gather3A_658[%and3A_4, %broadcast_in_dim3A_653, %and3A_488] : memref<4x32x128xf32, #tpu.memory_space<vmem>>[vector<16xi32>, vector<16xi32>, vector<16xi32>], vector<16xf32>,
      %gather3A_660 = arith.constant 0 : i32
      %gather3A_661 = arith.constant 0 : i32
      %gather3A_662 = arith.constant 0 : i32
      %gather3A_663 = tpu.memref_slice %arg10[%rem3A_358, %gather3A_660, %gather3A_661, %gather3A_662] : memref<3x4x32x128xf32, #tpu.memory_space<vmem>> -> memref<1x4x32x128xf32, #tpu.memory_space<vmem>>
      %gather3A_664 = tpu.memref_squeeze %gather3A_663 : memref<1x4x32x128xf32, #tpu.memory_space<vmem>> -> memref<4x32x128xf32, #tpu.memory_space<vmem>>
      %gather3A_665 = tpu.vector_load_idx %gather3A_664[%and3A_4, %broadcast_in_dim3A_653, %and3A_491] : memref<4x32x128xf32, #tpu.memory_space<vmem>>[vector<16xi32>, vector<16xi32>, vector<16xi32>], vector<16xf32>,
      %mul3A_666 = arith.mulf %gather3A_659, %gather3A_665 : vector<16xf32>
      %add3A_667 = arith.addf %add3A_651, %mul3A_666 : vector<16xf32>
      %broadcast_in_dim3A_668 = arith.constant 11 : i32
      %broadcast_in_dim3A_669 = vector.broadcast %broadcast_in_dim3A_668 : i32 to vector<16xi32>
      %gather3A_670 = arith.constant 0 : i32
      %gather3A_671 = arith.constant 0 : i32
      %gather3A_672 = arith.constant 0 : i32
      %gather3A_673 = tpu.memref_slice %arg9[%rem3A_358, %gather3A_670, %gather3A_671, %gather3A_672] : memref<3x4x32x128xf32, #tpu.memory_space<vmem>> -> memref<1x4x32x128xf32, #tpu.memory_space<vmem>>
      %gather3A_674 = tpu.memref_squeeze %gather3A_673 : memref<1x4x32x128xf32, #tpu.memory_space<vmem>> -> memref<4x32x128xf32, #tpu.memory_space<vmem>>
      %gather3A_675 = tpu.vector_load_idx %gather3A_674[%and3A_4, %broadcast_in_dim3A_669, %and3A_488] : memref<4x32x128xf32, #tpu.memory_space<vmem>>[vector<16xi32>, vector<16xi32>, vector<16xi32>], vector<16xf32>,
      %gather3A_676 = arith.constant 0 : i32
      %gather3A_677 = arith.constant 0 : i32
      %gather3A_678 = arith.constant 0 : i32
      %gather3A_679 = tpu.memref_slice %arg10[%rem3A_358, %gather3A_676, %gather3A_677, %gather3A_678] : memref<3x4x32x128xf32, #tpu.memory_space<vmem>> -> memref<1x4x32x128xf32, #tpu.memory_space<vmem>>
      %gather3A_680 = tpu.memref_squeeze %gather3A_679 : memref<1x4x32x128xf32, #tpu.memory_space<vmem>> -> memref<4x32x128xf32, #tpu.memory_space<vmem>>
      %gather3A_681 = tpu.vector_load_idx %gather3A_680[%and3A_4, %broadcast_in_dim3A_669, %and3A_491] : memref<4x32x128xf32, #tpu.memory_space<vmem>>[vector<16xi32>, vector<16xi32>, vector<16xi32>], vector<16xf32>,
      %mul3A_682 = arith.mulf %gather3A_675, %gather3A_681 : vector<16xf32>
      %add3A_683 = arith.addf %add3A_667, %mul3A_682 : vector<16xf32>
      %broadcast_in_dim3A_684 = arith.constant 12 : i32
      %broadcast_in_dim3A_685 = vector.broadcast %broadcast_in_dim3A_684 : i32 to vector<16xi32>
      %gather3A_686 = arith.constant 0 : i32
      %gather3A_687 = arith.constant 0 : i32
      %gather3A_688 = arith.constant 0 : i32
      %gather3A_689 = tpu.memref_slice %arg9[%rem3A_358, %gather3A_686, %gather3A_687, %gather3A_688] : memref<3x4x32x128xf32, #tpu.memory_space<vmem>> -> memref<1x4x32x128xf32, #tpu.memory_space<vmem>>
      %gather3A_690 = tpu.memref_squeeze %gather3A_689 : memref<1x4x32x128xf32, #tpu.memory_space<vmem>> -> memref<4x32x128xf32, #tpu.memory_space<vmem>>
      %gather3A_691 = tpu.vector_load_idx %gather3A_690[%and3A_4, %broadcast_in_dim3A_685, %and3A_488] : memref<4x32x128xf32, #tpu.memory_space<vmem>>[vector<16xi32>, vector<16xi32>, vector<16xi32>], vector<16xf32>,
      %gather3A_692 = arith.constant 0 : i32
      %gather3A_693 = arith.constant 0 : i32
      %gather3A_694 = arith.constant 0 : i32
      %gather3A_695 = tpu.memref_slice %arg10[%rem3A_358, %gather3A_692, %gather3A_693, %gather3A_694] : memref<3x4x32x128xf32, #tpu.memory_space<vmem>> -> memref<1x4x32x128xf32, #tpu.memory_space<vmem>>
      %gather3A_696 = tpu.memref_squeeze %gather3A_695 : memref<1x4x32x128xf32, #tpu.memory_space<vmem>> -> memref<4x32x128xf32, #tpu.memory_space<vmem>>
      %gather3A_697 = tpu.vector_load_idx %gather3A_696[%and3A_4, %broadcast_in_dim3A_685, %and3A_491] : memref<4x32x128xf32, #tpu.memory_space<vmem>>[vector<16xi32>, vector<16xi32>, vector<16xi32>], vector<16xf32>,
      %mul3A_698 = arith.mulf %gather3A_691, %gather3A_697 : vector<16xf32>
      %add3A_699 = arith.addf %add3A_683, %mul3A_698 : vector<16xf32>
      %broadcast_in_dim3A_700 = arith.constant 13 : i32
      %broadcast_in_dim3A_701 = vector.broadcast %broadcast_in_dim3A_700 : i32 to vector<16xi32>
      %gather3A_702 = arith.constant 0 : i32
      %gather3A_703 = arith.constant 0 : i32
      %gather3A_704 = arith.constant 0 : i32
      %gather3A_705 = tpu.memref_slice %arg9[%rem3A_358, %gather3A_702, %gather3A_703, %gather3A_704] : memref<3x4x32x128xf32, #tpu.memory_space<vmem>> -> memref<1x4x32x128xf32, #tpu.memory_space<vmem>>
      %gather3A_706 = tpu.memref_squeeze %gather3A_705 : memref<1x4x32x128xf32, #tpu.memory_space<vmem>> -> memref<4x32x128xf32, #tpu.memory_space<vmem>>
      %gather3A_707 = tpu.vector_load_idx %gather3A_706[%and3A_4, %broadcast_in_dim3A_701, %and3A_488] : memref<4x32x128xf32, #tpu.memory_space<vmem>>[vector<16xi32>, vector<16xi32>, vector<16xi32>], vector<16xf32>,
      %gather3A_708 = arith.constant 0 : i32
      %gather3A_709 = arith.constant 0 : i32
      %gather3A_710 = arith.constant 0 : i32
      %gather3A_711 = tpu.memref_slice %arg10[%rem3A_358, %gather3A_708, %gather3A_709, %gather3A_710] : memref<3x4x32x128xf32, #tpu.memory_space<vmem>> -> memref<1x4x32x128xf32, #tpu.memory_space<vmem>>
      %gather3A_712 = tpu.memref_squeeze %gather3A_711 : memref<1x4x32x128xf32, #tpu.memory_space<vmem>> -> memref<4x32x128xf32, #tpu.memory_space<vmem>>
      %gather3A_713 = tpu.vector_load_idx %gather3A_712[%and3A_4, %broadcast_in_dim3A_701, %and3A_491] : memref<4x32x128xf32, #tpu.memory_space<vmem>>[vector<16xi32>, vector<16xi32>, vector<16xi32>], vector<16xf32>,
      %mul3A_714 = arith.mulf %gather3A_707, %gather3A_713 : vector<16xf32>
      %add3A_715 = arith.addf %add3A_699, %mul3A_714 : vector<16xf32>
      %broadcast_in_dim3A_716 = arith.constant 14 : i32
      %broadcast_in_dim3A_717 = vector.broadcast %broadcast_in_dim3A_716 : i32 to vector<16xi32>
      %gather3A_718 = arith.constant 0 : i32
      %gather3A_719 = arith.constant 0 : i32
      %gather3A_720 = arith.constant 0 : i32
      %gather3A_721 = tpu.memref_slice %arg9[%rem3A_358, %gather3A_718, %gather3A_719, %gather3A_720] : memref<3x4x32x128xf32, #tpu.memory_space<vmem>> -> memref<1x4x32x128xf32, #tpu.memory_space<vmem>>
      %gather3A_722 = tpu.memref_squeeze %gather3A_721 : memref<1x4x32x128xf32, #tpu.memory_space<vmem>> -> memref<4x32x128xf32, #tpu.memory_space<vmem>>
      %gather3A_723 = tpu.vector_load_idx %gather3A_722[%and3A_4, %broadcast_in_dim3A_717, %and3A_488] : memref<4x32x128xf32, #tpu.memory_space<vmem>>[vector<16xi32>, vector<16xi32>, vector<16xi32>], vector<16xf32>,
      %gather3A_724 = arith.constant 0 : i32
      %gather3A_725 = arith.constant 0 : i32
      %gather3A_726 = arith.constant 0 : i32
      %gather3A_727 = tpu.memref_slice %arg10[%rem3A_358, %gather3A_724, %gather3A_725, %gather3A_726] : memref<3x4x32x128xf32, #tpu.memory_space<vmem>> -> memref<1x4x32x128xf32, #tpu.memory_space<vmem>>
      %gather3A_728 = tpu.memref_squeeze %gather3A_727 : memref<1x4x32x128xf32, #tpu.memory_space<vmem>> -> memref<4x32x128xf32, #tpu.memory_space<vmem>>
      %gather3A_729 = tpu.vector_load_idx %gather3A_728[%and3A_4, %broadcast_in_dim3A_717, %and3A_491] : memref<4x32x128xf32, #tpu.memory_space<vmem>>[vector<16xi32>, vector<16xi32>, vector<16xi32>], vector<16xf32>,
      %mul3A_730 = arith.mulf %gather3A_723, %gather3A_729 : vector<16xf32>
      %add3A_731 = arith.addf %add3A_715, %mul3A_730 : vector<16xf32>
      %broadcast_in_dim3A_732 = arith.constant 15 : i32
      %broadcast_in_dim3A_733 = vector.broadcast %broadcast_in_dim3A_732 : i32 to vector<16xi32>
      %gather3A_734 = arith.constant 0 : i32
      %gather3A_735 = arith.constant 0 : i32
      %gather3A_736 = arith.constant 0 : i32
      %gather3A_737 = tpu.memref_slice %arg9[%rem3A_358, %gather3A_734, %gather3A_735, %gather3A_736] : memref<3x4x32x128xf32, #tpu.memory_space<vmem>> -> memref<1x4x32x128xf32, #tpu.memory_space<vmem>>
      %gather3A_738 = tpu.memref_squeeze %gather3A_737 : memref<1x4x32x128xf32, #tpu.memory_space<vmem>> -> memref<4x32x128xf32, #tpu.memory_space<vmem>>
      %gather3A_739 = tpu.vector_load_idx %gather3A_738[%and3A_4, %broadcast_in_dim3A_733, %and3A_488] : memref<4x32x128xf32, #tpu.memory_space<vmem>>[vector<16xi32>, vector<16xi32>, vector<16xi32>], vector<16xf32>,
      %gather3A_740 = arith.constant 0 : i32
      %gather3A_741 = arith.constant 0 : i32
      %gather3A_742 = arith.constant 0 : i32
      %gather3A_743 = tpu.memref_slice %arg10[%rem3A_358, %gather3A_740, %gather3A_741, %gather3A_742] : memref<3x4x32x128xf32, #tpu.memory_space<vmem>> -> memref<1x4x32x128xf32, #tpu.memory_space<vmem>>
      %gather3A_744 = tpu.memref_squeeze %gather3A_743 : memref<1x4x32x128xf32, #tpu.memory_space<vmem>> -> memref<4x32x128xf32, #tpu.memory_space<vmem>>
      %gather3A_745 = tpu.vector_load_idx %gather3A_744[%and3A_4, %broadcast_in_dim3A_733, %and3A_491] : memref<4x32x128xf32, #tpu.memory_space<vmem>>[vector<16xi32>, vector<16xi32>, vector<16xi32>], vector<16xf32>,
      %mul3A_746 = arith.mulf %gather3A_739, %gather3A_745 : vector<16xf32>
      %add3A_747 = arith.addf %add3A_731, %mul3A_746 : vector<16xf32>
      %broadcast_in_dim3A_748 = arith.constant 16 : i32
      %broadcast_in_dim3A_749 = vector.broadcast %broadcast_in_dim3A_748 : i32 to vector<16xi32>
      %gather3A_750 = arith.constant 0 : i32
      %gather3A_751 = arith.constant 0 : i32
      %gather3A_752 = arith.constant 0 : i32
      %gather3A_753 = tpu.memref_slice %arg9[%rem3A_358, %gather3A_750, %gather3A_751, %gather3A_752] : memref<3x4x32x128xf32, #tpu.memory_space<vmem>> -> memref<1x4x32x128xf32, #tpu.memory_space<vmem>>
      %gather3A_754 = tpu.memref_squeeze %gather3A_753 : memref<1x4x32x128xf32, #tpu.memory_space<vmem>> -> memref<4x32x128xf32, #tpu.memory_space<vmem>>
      %gather3A_755 = tpu.vector_load_idx %gather3A_754[%and3A_4, %broadcast_in_dim3A_749, %and3A_488] : memref<4x32x128xf32, #tpu.memory_space<vmem>>[vector<16xi32>, vector<16xi32>, vector<16xi32>], vector<16xf32>,
      %gather3A_756 = arith.constant 0 : i32
      %gather3A_757 = arith.constant 0 : i32
      %gather3A_758 = arith.constant 0 : i32
      %gather3A_759 = tpu.memref_slice %arg10[%rem3A_358, %gather3A_756, %gather3A_757, %gather3A_758] : memref<3x4x32x128xf32, #tpu.memory_space<vmem>> -> memref<1x4x32x128xf32, #tpu.memory_space<vmem>>
      %gather3A_760 = tpu.memref_squeeze %gather3A_759 : memref<1x4x32x128xf32, #tpu.memory_space<vmem>> -> memref<4x32x128xf32, #tpu.memory_space<vmem>>
      %gather3A_761 = tpu.vector_load_idx %gather3A_760[%and3A_4, %broadcast_in_dim3A_749, %and3A_491] : memref<4x32x128xf32, #tpu.memory_space<vmem>>[vector<16xi32>, vector<16xi32>, vector<16xi32>], vector<16xf32>,
      %mul3A_762 = arith.mulf %gather3A_755, %gather3A_761 : vector<16xf32>
      %add3A_763 = arith.addf %add3A_747, %mul3A_762 : vector<16xf32>
      %broadcast_in_dim3A_764 = arith.constant 17 : i32
      %broadcast_in_dim3A_765 = vector.broadcast %broadcast_in_dim3A_764 : i32 to vector<16xi32>
      %gather3A_766 = arith.constant 0 : i32
      %gather3A_767 = arith.constant 0 : i32
      %gather3A_768 = arith.constant 0 : i32
      %gather3A_769 = tpu.memref_slice %arg9[%rem3A_358, %gather3A_766, %gather3A_767, %gather3A_768] : memref<3x4x32x128xf32, #tpu.memory_space<vmem>> -> memref<1x4x32x128xf32, #tpu.memory_space<vmem>>
      %gather3A_770 = tpu.memref_squeeze %gather3A_769 : memref<1x4x32x128xf32, #tpu.memory_space<vmem>> -> memref<4x32x128xf32, #tpu.memory_space<vmem>>
      %gather3A_771 = tpu.vector_load_idx %gather3A_770[%and3A_4, %broadcast_in_dim3A_765, %and3A_488] : memref<4x32x128xf32, #tpu.memory_space<vmem>>[vector<16xi32>, vector<16xi32>, vector<16xi32>], vector<16xf32>,
      %gather3A_772 = arith.constant 0 : i32
      %gather3A_773 = arith.constant 0 : i32
      %gather3A_774 = arith.constant 0 : i32
      %gather3A_775 = tpu.memref_slice %arg10[%rem3A_358, %gather3A_772, %gather3A_773, %gather3A_774] : memref<3x4x32x128xf32, #tpu.memory_space<vmem>> -> memref<1x4x32x128xf32, #tpu.memory_space<vmem>>
      %gather3A_776 = tpu.memref_squeeze %gather3A_775 : memref<1x4x32x128xf32, #tpu.memory_space<vmem>> -> memref<4x32x128xf32, #tpu.memory_space<vmem>>
      %gather3A_777 = tpu.vector_load_idx %gather3A_776[%and3A_4, %broadcast_in_dim3A_765, %and3A_491] : memref<4x32x128xf32, #tpu.memory_space<vmem>>[vector<16xi32>, vector<16xi32>, vector<16xi32>], vector<16xf32>,
      %mul3A_778 = arith.mulf %gather3A_771, %gather3A_777 : vector<16xf32>
      %add3A_779 = arith.addf %add3A_763, %mul3A_778 : vector<16xf32>
      %broadcast_in_dim3A_780 = arith.constant 18 : i32
      %broadcast_in_dim3A_781 = vector.broadcast %broadcast_in_dim3A_780 : i32 to vector<16xi32>
      %gather3A_782 = arith.constant 0 : i32
      %gather3A_783 = arith.constant 0 : i32
      %gather3A_784 = arith.constant 0 : i32
      %gather3A_785 = tpu.memref_slice %arg9[%rem3A_358, %gather3A_782, %gather3A_783, %gather3A_784] : memref<3x4x32x128xf32, #tpu.memory_space<vmem>> -> memref<1x4x32x128xf32, #tpu.memory_space<vmem>>
      %gather3A_786 = tpu.memref_squeeze %gather3A_785 : memref<1x4x32x128xf32, #tpu.memory_space<vmem>> -> memref<4x32x128xf32, #tpu.memory_space<vmem>>
      %gather3A_787 = tpu.vector_load_idx %gather3A_786[%and3A_4, %broadcast_in_dim3A_781, %and3A_488] : memref<4x32x128xf32, #tpu.memory_space<vmem>>[vector<16xi32>, vector<16xi32>, vector<16xi32>], vector<16xf32>,
      %gather3A_788 = arith.constant 0 : i32
      %gather3A_789 = arith.constant 0 : i32
      %gather3A_790 = arith.constant 0 : i32
      %gather3A_791 = tpu.memref_slice %arg10[%rem3A_358, %gather3A_788, %gather3A_789, %gather3A_790] : memref<3x4x32x128xf32, #tpu.memory_space<vmem>> -> memref<1x4x32x128xf32, #tpu.memory_space<vmem>>
      %gather3A_792 = tpu.memref_squeeze %gather3A_791 : memref<1x4x32x128xf32, #tpu.memory_space<vmem>> -> memref<4x32x128xf32, #tpu.memory_space<vmem>>
      %gather3A_793 = tpu.vector_load_idx %gather3A_792[%and3A_4, %broadcast_in_dim3A_781, %and3A_491] : memref<4x32x128xf32, #tpu.memory_space<vmem>>[vector<16xi32>, vector<16xi32>, vector<16xi32>], vector<16xf32>,
      %mul3A_794 = arith.mulf %gather3A_787, %gather3A_793 : vector<16xf32>
      %add3A_795 = arith.addf %add3A_779, %mul3A_794 : vector<16xf32>
      %broadcast_in_dim3A_796 = arith.constant 19 : i32
      %broadcast_in_dim3A_797 = vector.broadcast %broadcast_in_dim3A_796 : i32 to vector<16xi32>
      %gather3A_798 = arith.constant 0 : i32
      %gather3A_799 = arith.constant 0 : i32
      %gather3A_800 = arith.constant 0 : i32
      %gather3A_801 = tpu.memref_slice %arg9[%rem3A_358, %gather3A_798, %gather3A_799, %gather3A_800] : memref<3x4x32x128xf32, #tpu.memory_space<vmem>> -> memref<1x4x32x128xf32, #tpu.memory_space<vmem>>
      %gather3A_802 = tpu.memref_squeeze %gather3A_801 : memref<1x4x32x128xf32, #tpu.memory_space<vmem>> -> memref<4x32x128xf32, #tpu.memory_space<vmem>>
      %gather3A_803 = tpu.vector_load_idx %gather3A_802[%and3A_4, %broadcast_in_dim3A_797, %and3A_488] : memref<4x32x128xf32, #tpu.memory_space<vmem>>[vector<16xi32>, vector<16xi32>, vector<16xi32>], vector<16xf32>,
      %gather3A_804 = arith.constant 0 : i32
      %gather3A_805 = arith.constant 0 : i32
      %gather3A_806 = arith.constant 0 : i32
      %gather3A_807 = tpu.memref_slice %arg10[%rem3A_358, %gather3A_804, %gather3A_805, %gather3A_806] : memref<3x4x32x128xf32, #tpu.memory_space<vmem>> -> memref<1x4x32x128xf32, #tpu.memory_space<vmem>>
      %gather3A_808 = tpu.memref_squeeze %gather3A_807 : memref<1x4x32x128xf32, #tpu.memory_space<vmem>> -> memref<4x32x128xf32, #tpu.memory_space<vmem>>
      %gather3A_809 = tpu.vector_load_idx %gather3A_808[%and3A_4, %broadcast_in_dim3A_797, %and3A_491] : memref<4x32x128xf32, #tpu.memory_space<vmem>>[vector<16xi32>, vector<16xi32>, vector<16xi32>], vector<16xf32>,
      %mul3A_810 = arith.mulf %gather3A_803, %gather3A_809 : vector<16xf32>
      %add3A_811 = arith.addf %add3A_795, %mul3A_810 : vector<16xf32>
      %broadcast_in_dim3A_812 = arith.constant 20 : i32
      %broadcast_in_dim3A_813 = vector.broadcast %broadcast_in_dim3A_812 : i32 to vector<16xi32>
      %gather3A_814 = arith.constant 0 : i32
      %gather3A_815 = arith.constant 0 : i32
      %gather3A_816 = arith.constant 0 : i32
      %gather3A_817 = tpu.memref_slice %arg9[%rem3A_358, %gather3A_814, %gather3A_815, %gather3A_816] : memref<3x4x32x128xf32, #tpu.memory_space<vmem>> -> memref<1x4x32x128xf32, #tpu.memory_space<vmem>>
      %gather3A_818 = tpu.memref_squeeze %gather3A_817 : memref<1x4x32x128xf32, #tpu.memory_space<vmem>> -> memref<4x32x128xf32, #tpu.memory_space<vmem>>
      %gather3A_819 = tpu.vector_load_idx %gather3A_818[%and3A_4, %broadcast_in_dim3A_813, %and3A_488] : memref<4x32x128xf32, #tpu.memory_space<vmem>>[vector<16xi32>, vector<16xi32>, vector<16xi32>], vector<16xf32>,
      %gather3A_820 = arith.constant 0 : i32
      %gather3A_821 = arith.constant 0 : i32
      %gather3A_822 = arith.constant 0 : i32
      %gather3A_823 = tpu.memref_slice %arg10[%rem3A_358, %gather3A_820, %gather3A_821, %gather3A_822] : memref<3x4x32x128xf32, #tpu.memory_space<vmem>> -> memref<1x4x32x128xf32, #tpu.memory_space<vmem>>
      %gather3A_824 = tpu.memref_squeeze %gather3A_823 : memref<1x4x32x128xf32, #tpu.memory_space<vmem>> -> memref<4x32x128xf32, #tpu.memory_space<vmem>>
      %gather3A_825 = tpu.vector_load_idx %gather3A_824[%and3A_4, %broadcast_in_dim3A_813, %and3A_491] : memref<4x32x128xf32, #tpu.memory_space<vmem>>[vector<16xi32>, vector<16xi32>, vector<16xi32>], vector<16xf32>,
      %mul3A_826 = arith.mulf %gather3A_819, %gather3A_825 : vector<16xf32>
      %add3A_827 = arith.addf %add3A_811, %mul3A_826 : vector<16xf32>
      %broadcast_in_dim3A_828 = arith.constant 21 : i32
      %broadcast_in_dim3A_829 = vector.broadcast %broadcast_in_dim3A_828 : i32 to vector<16xi32>
      %gather3A_830 = arith.constant 0 : i32
      %gather3A_831 = arith.constant 0 : i32
      %gather3A_832 = arith.constant 0 : i32
      %gather3A_833 = tpu.memref_slice %arg9[%rem3A_358, %gather3A_830, %gather3A_831, %gather3A_832] : memref<3x4x32x128xf32, #tpu.memory_space<vmem>> -> memref<1x4x32x128xf32, #tpu.memory_space<vmem>>
      %gather3A_834 = tpu.memref_squeeze %gather3A_833 : memref<1x4x32x128xf32, #tpu.memory_space<vmem>> -> memref<4x32x128xf32, #tpu.memory_space<vmem>>
      %gather3A_835 = tpu.vector_load_idx %gather3A_834[%and3A_4, %broadcast_in_dim3A_829, %and3A_488] : memref<4x32x128xf32, #tpu.memory_space<vmem>>[vector<16xi32>, vector<16xi32>, vector<16xi32>], vector<16xf32>,
      %gather3A_836 = arith.constant 0 : i32
      %gather3A_837 = arith.constant 0 : i32
      %gather3A_838 = arith.constant 0 : i32
      %gather3A_839 = tpu.memref_slice %arg10[%rem3A_358, %gather3A_836, %gather3A_837, %gather3A_838] : memref<3x4x32x128xf32, #tpu.memory_space<vmem>> -> memref<1x4x32x128xf32, #tpu.memory_space<vmem>>
      %gather3A_840 = tpu.memref_squeeze %gather3A_839 : memref<1x4x32x128xf32, #tpu.memory_space<vmem>> -> memref<4x32x128xf32, #tpu.memory_space<vmem>>
      %gather3A_841 = tpu.vector_load_idx %gather3A_840[%and3A_4, %broadcast_in_dim3A_829, %and3A_491] : memref<4x32x128xf32, #tpu.memory_space<vmem>>[vector<16xi32>, vector<16xi32>, vector<16xi32>], vector<16xf32>,
      %mul3A_842 = arith.mulf %gather3A_835, %gather3A_841 : vector<16xf32>
      %add3A_843 = arith.addf %add3A_827, %mul3A_842 : vector<16xf32>
      %broadcast_in_dim3A_844 = arith.constant 22 : i32
      %broadcast_in_dim3A_845 = vector.broadcast %broadcast_in_dim3A_844 : i32 to vector<16xi32>
      %gather3A_846 = arith.constant 0 : i32
      %gather3A_847 = arith.constant 0 : i32
      %gather3A_848 = arith.constant 0 : i32
      %gather3A_849 = tpu.memref_slice %arg9[%rem3A_358, %gather3A_846, %gather3A_847, %gather3A_848] : memref<3x4x32x128xf32, #tpu.memory_space<vmem>> -> memref<1x4x32x128xf32, #tpu.memory_space<vmem>>
      %gather3A_850 = tpu.memref_squeeze %gather3A_849 : memref<1x4x32x128xf32, #tpu.memory_space<vmem>> -> memref<4x32x128xf32, #tpu.memory_space<vmem>>
      %gather3A_851 = tpu.vector_load_idx %gather3A_850[%and3A_4, %broadcast_in_dim3A_845, %and3A_488] : memref<4x32x128xf32, #tpu.memory_space<vmem>>[vector<16xi32>, vector<16xi32>, vector<16xi32>], vector<16xf32>,
      %gather3A_852 = arith.constant 0 : i32
      %gather3A_853 = arith.constant 0 : i32
      %gather3A_854 = arith.constant 0 : i32
      %gather3A_855 = tpu.memref_slice %arg10[%rem3A_358, %gather3A_852, %gather3A_853, %gather3A_854] : memref<3x4x32x128xf32, #tpu.memory_space<vmem>> -> memref<1x4x32x128xf32, #tpu.memory_space<vmem>>
      %gather3A_856 = tpu.memref_squeeze %gather3A_855 : memref<1x4x32x128xf32, #tpu.memory_space<vmem>> -> memref<4x32x128xf32, #tpu.memory_space<vmem>>
      %gather3A_857 = tpu.vector_load_idx %gather3A_856[%and3A_4, %broadcast_in_dim3A_845, %and3A_491] : memref<4x32x128xf32, #tpu.memory_space<vmem>>[vector<16xi32>, vector<16xi32>, vector<16xi32>], vector<16xf32>,
      %mul3A_858 = arith.mulf %gather3A_851, %gather3A_857 : vector<16xf32>
      %add3A_859 = arith.addf %add3A_843, %mul3A_858 : vector<16xf32>
      %broadcast_in_dim3A_860 = arith.constant 23 : i32
      %broadcast_in_dim3A_861 = vector.broadcast %broadcast_in_dim3A_860 : i32 to vector<16xi32>
      %gather3A_862 = arith.constant 0 : i32
      %gather3A_863 = arith.constant 0 : i32
      %gather3A_864 = arith.constant 0 : i32
      %gather3A_865 = tpu.memref_slice %arg9[%rem3A_358, %gather3A_862, %gather3A_863, %gather3A_864] : memref<3x4x32x128xf32, #tpu.memory_space<vmem>> -> memref<1x4x32x128xf32, #tpu.memory_space<vmem>>
      %gather3A_866 = tpu.memref_squeeze %gather3A_865 : memref<1x4x32x128xf32, #tpu.memory_space<vmem>> -> memref<4x32x128xf32, #tpu.memory_space<vmem>>
      %gather3A_867 = tpu.vector_load_idx %gather3A_866[%and3A_4, %broadcast_in_dim3A_861, %and3A_488] : memref<4x32x128xf32, #tpu.memory_space<vmem>>[vector<16xi32>, vector<16xi32>, vector<16xi32>], vector<16xf32>,
      %gather3A_868 = arith.constant 0 : i32
      %gather3A_869 = arith.constant 0 : i32
      %gather3A_870 = arith.constant 0 : i32
      %gather3A_871 = tpu.memref_slice %arg10[%rem3A_358, %gather3A_868, %gather3A_869, %gather3A_870] : memref<3x4x32x128xf32, #tpu.memory_space<vmem>> -> memref<1x4x32x128xf32, #tpu.memory_space<vmem>>
      %gather3A_872 = tpu.memref_squeeze %gather3A_871 : memref<1x4x32x128xf32, #tpu.memory_space<vmem>> -> memref<4x32x128xf32, #tpu.memory_space<vmem>>
      %gather3A_873 = tpu.vector_load_idx %gather3A_872[%and3A_4, %broadcast_in_dim3A_861, %and3A_491] : memref<4x32x128xf32, #tpu.memory_space<vmem>>[vector<16xi32>, vector<16xi32>, vector<16xi32>], vector<16xf32>,
      %mul3A_874 = arith.mulf %gather3A_867, %gather3A_873 : vector<16xf32>
      %add3A_875 = arith.addf %add3A_859, %mul3A_874 : vector<16xf32>
      %broadcast_in_dim3A_876 = arith.constant 24 : i32
      %broadcast_in_dim3A_877 = vector.broadcast %broadcast_in_dim3A_876 : i32 to vector<16xi32>
      %gather3A_878 = arith.constant 0 : i32
      %gather3A_879 = arith.constant 0 : i32
      %gather3A_880 = arith.constant 0 : i32
      %gather3A_881 = tpu.memref_slice %arg9[%rem3A_358, %gather3A_878, %gather3A_879, %gather3A_880] : memref<3x4x32x128xf32, #tpu.memory_space<vmem>> -> memref<1x4x32x128xf32, #tpu.memory_space<vmem>>
      %gather3A_882 = tpu.memref_squeeze %gather3A_881 : memref<1x4x32x128xf32, #tpu.memory_space<vmem>> -> memref<4x32x128xf32, #tpu.memory_space<vmem>>
      %gather3A_883 = tpu.vector_load_idx %gather3A_882[%and3A_4, %broadcast_in_dim3A_877, %and3A_488] : memref<4x32x128xf32, #tpu.memory_space<vmem>>[vector<16xi32>, vector<16xi32>, vector<16xi32>], vector<16xf32>,
      %gather3A_884 = arith.constant 0 : i32
      %gather3A_885 = arith.constant 0 : i32
      %gather3A_886 = arith.constant 0 : i32
      %gather3A_887 = tpu.memref_slice %arg10[%rem3A_358, %gather3A_884, %gather3A_885, %gather3A_886] : memref<3x4x32x128xf32, #tpu.memory_space<vmem>> -> memref<1x4x32x128xf32, #tpu.memory_space<vmem>>
      %gather3A_888 = tpu.memref_squeeze %gather3A_887 : memref<1x4x32x128xf32, #tpu.memory_space<vmem>> -> memref<4x32x128xf32, #tpu.memory_space<vmem>>
      %gather3A_889 = tpu.vector_load_idx %gather3A_888[%and3A_4, %broadcast_in_dim3A_877, %and3A_491] : memref<4x32x128xf32, #tpu.memory_space<vmem>>[vector<16xi32>, vector<16xi32>, vector<16xi32>], vector<16xf32>,
      %mul3A_890 = arith.mulf %gather3A_883, %gather3A_889 : vector<16xf32>
      %add3A_891 = arith.addf %add3A_875, %mul3A_890 : vector<16xf32>
      %broadcast_in_dim3A_892 = arith.constant 25 : i32
      %broadcast_in_dim3A_893 = vector.broadcast %broadcast_in_dim3A_892 : i32 to vector<16xi32>
      %gather3A_894 = arith.constant 0 : i32
      %gather3A_895 = arith.constant 0 : i32
      %gather3A_896 = arith.constant 0 : i32
      %gather3A_897 = tpu.memref_slice %arg9[%rem3A_358, %gather3A_894, %gather3A_895, %gather3A_896] : memref<3x4x32x128xf32, #tpu.memory_space<vmem>> -> memref<1x4x32x128xf32, #tpu.memory_space<vmem>>
      %gather3A_898 = tpu.memref_squeeze %gather3A_897 : memref<1x4x32x128xf32, #tpu.memory_space<vmem>> -> memref<4x32x128xf32, #tpu.memory_space<vmem>>
      %gather3A_899 = tpu.vector_load_idx %gather3A_898[%and3A_4, %broadcast_in_dim3A_893, %and3A_488] : memref<4x32x128xf32, #tpu.memory_space<vmem>>[vector<16xi32>, vector<16xi32>, vector<16xi32>], vector<16xf32>,
      %gather3A_900 = arith.constant 0 : i32
      %gather3A_901 = arith.constant 0 : i32
      %gather3A_902 = arith.constant 0 : i32
      %gather3A_903 = tpu.memref_slice %arg10[%rem3A_358, %gather3A_900, %gather3A_901, %gather3A_902] : memref<3x4x32x128xf32, #tpu.memory_space<vmem>> -> memref<1x4x32x128xf32, #tpu.memory_space<vmem>>
      %gather3A_904 = tpu.memref_squeeze %gather3A_903 : memref<1x4x32x128xf32, #tpu.memory_space<vmem>> -> memref<4x32x128xf32, #tpu.memory_space<vmem>>
      %gather3A_905 = tpu.vector_load_idx %gather3A_904[%and3A_4, %broadcast_in_dim3A_893, %and3A_491] : memref<4x32x128xf32, #tpu.memory_space<vmem>>[vector<16xi32>, vector<16xi32>, vector<16xi32>], vector<16xf32>,
      %mul3A_906 = arith.mulf %gather3A_899, %gather3A_905 : vector<16xf32>
      %add3A_907 = arith.addf %add3A_891, %mul3A_906 : vector<16xf32>
      %broadcast_in_dim3A_908 = arith.constant 26 : i32
      %broadcast_in_dim3A_909 = vector.broadcast %broadcast_in_dim3A_908 : i32 to vector<16xi32>
      %gather3A_910 = arith.constant 0 : i32
      %gather3A_911 = arith.constant 0 : i32
      %gather3A_912 = arith.constant 0 : i32
      %gather3A_913 = tpu.memref_slice %arg9[%rem3A_358, %gather3A_910, %gather3A_911, %gather3A_912] : memref<3x4x32x128xf32, #tpu.memory_space<vmem>> -> memref<1x4x32x128xf32, #tpu.memory_space<vmem>>
      %gather3A_914 = tpu.memref_squeeze %gather3A_913 : memref<1x4x32x128xf32, #tpu.memory_space<vmem>> -> memref<4x32x128xf32, #tpu.memory_space<vmem>>
      %gather3A_915 = tpu.vector_load_idx %gather3A_914[%and3A_4, %broadcast_in_dim3A_909, %and3A_488] : memref<4x32x128xf32, #tpu.memory_space<vmem>>[vector<16xi32>, vector<16xi32>, vector<16xi32>], vector<16xf32>,
      %gather3A_916 = arith.constant 0 : i32
      %gather3A_917 = arith.constant 0 : i32
      %gather3A_918 = arith.constant 0 : i32
      %gather3A_919 = tpu.memref_slice %arg10[%rem3A_358, %gather3A_916, %gather3A_917, %gather3A_918] : memref<3x4x32x128xf32, #tpu.memory_space<vmem>> -> memref<1x4x32x128xf32, #tpu.memory_space<vmem>>
      %gather3A_920 = tpu.memref_squeeze %gather3A_919 : memref<1x4x32x128xf32, #tpu.memory_space<vmem>> -> memref<4x32x128xf32, #tpu.memory_space<vmem>>
      %gather3A_921 = tpu.vector_load_idx %gather3A_920[%and3A_4, %broadcast_in_dim3A_909, %and3A_491] : memref<4x32x128xf32, #tpu.memory_space<vmem>>[vector<16xi32>, vector<16xi32>, vector<16xi32>], vector<16xf32>,
      %mul3A_922 = arith.mulf %gather3A_915, %gather3A_921 : vector<16xf32>
      %add3A_923 = arith.addf %add3A_907, %mul3A_922 : vector<16xf32>
      %broadcast_in_dim3A_924 = arith.constant 27 : i32
      %broadcast_in_dim3A_925 = vector.broadcast %broadcast_in_dim3A_924 : i32 to vector<16xi32>
      %gather3A_926 = arith.constant 0 : i32
      %gather3A_927 = arith.constant 0 : i32
      %gather3A_928 = arith.constant 0 : i32
      %gather3A_929 = tpu.memref_slice %arg9[%rem3A_358, %gather3A_926, %gather3A_927, %gather3A_928] : memref<3x4x32x128xf32, #tpu.memory_space<vmem>> -> memref<1x4x32x128xf32, #tpu.memory_space<vmem>>
      %gather3A_930 = tpu.memref_squeeze %gather3A_929 : memref<1x4x32x128xf32, #tpu.memory_space<vmem>> -> memref<4x32x128xf32, #tpu.memory_space<vmem>>
      %gather3A_931 = tpu.vector_load_idx %gather3A_930[%and3A_4, %broadcast_in_dim3A_925, %and3A_488] : memref<4x32x128xf32, #tpu.memory_space<vmem>>[vector<16xi32>, vector<16xi32>, vector<16xi32>], vector<16xf32>,
      %gather3A_932 = arith.constant 0 : i32
      %gather3A_933 = arith.constant 0 : i32
      %gather3A_934 = arith.constant 0 : i32
      %gather3A_935 = tpu.memref_slice %arg10[%rem3A_358, %gather3A_932, %gather3A_933, %gather3A_934] : memref<3x4x32x128xf32, #tpu.memory_space<vmem>> -> memref<1x4x32x128xf32, #tpu.memory_space<vmem>>
      %gather3A_936 = tpu.memref_squeeze %gather3A_935 : memref<1x4x32x128xf32, #tpu.memory_space<vmem>> -> memref<4x32x128xf32, #tpu.memory_space<vmem>>
      %gather3A_937 = tpu.vector_load_idx %gather3A_936[%and3A_4, %broadcast_in_dim3A_925, %and3A_491] : memref<4x32x128xf32, #tpu.memory_space<vmem>>[vector<16xi32>, vector<16xi32>, vector<16xi32>], vector<16xf32>,
      %mul3A_938 = arith.mulf %gather3A_931, %gather3A_937 : vector<16xf32>
      %add3A_939 = arith.addf %add3A_923, %mul3A_938 : vector<16xf32>
      %broadcast_in_dim3A_940 = arith.constant 28 : i32
      %broadcast_in_dim3A_941 = vector.broadcast %broadcast_in_dim3A_940 : i32 to vector<16xi32>
      %gather3A_942 = arith.constant 0 : i32
      %gather3A_943 = arith.constant 0 : i32
      %gather3A_944 = arith.constant 0 : i32
      %gather3A_945 = tpu.memref_slice %arg9[%rem3A_358, %gather3A_942, %gather3A_943, %gather3A_944] : memref<3x4x32x128xf32, #tpu.memory_space<vmem>> -> memref<1x4x32x128xf32, #tpu.memory_space<vmem>>
      %gather3A_946 = tpu.memref_squeeze %gather3A_945 : memref<1x4x32x128xf32, #tpu.memory_space<vmem>> -> memref<4x32x128xf32, #tpu.memory_space<vmem>>
      %gather3A_947 = tpu.vector_load_idx %gather3A_946[%and3A_4, %broadcast_in_dim3A_941, %and3A_488] : memref<4x32x128xf32, #tpu.memory_space<vmem>>[vector<16xi32>, vector<16xi32>, vector<16xi32>], vector<16xf32>,
      %gather3A_948 = arith.constant 0 : i32
      %gather3A_949 = arith.constant 0 : i32
      %gather3A_950 = arith.constant 0 : i32
      %gather3A_951 = tpu.memref_slice %arg10[%rem3A_358, %gather3A_948, %gather3A_949, %gather3A_950] : memref<3x4x32x128xf32, #tpu.memory_space<vmem>> -> memref<1x4x32x128xf32, #tpu.memory_space<vmem>>
      %gather3A_952 = tpu.memref_squeeze %gather3A_951 : memref<1x4x32x128xf32, #tpu.memory_space<vmem>> -> memref<4x32x128xf32, #tpu.memory_space<vmem>>
      %gather3A_953 = tpu.vector_load_idx %gather3A_952[%and3A_4, %broadcast_in_dim3A_941, %and3A_491] : memref<4x32x128xf32, #tpu.memory_space<vmem>>[vector<16xi32>, vector<16xi32>, vector<16xi32>], vector<16xf32>,
      %mul3A_954 = arith.mulf %gather3A_947, %gather3A_953 : vector<16xf32>
      %add3A_955 = arith.addf %add3A_939, %mul3A_954 : vector<16xf32>
      %broadcast_in_dim3A_956 = arith.constant 29 : i32
      %broadcast_in_dim3A_957 = vector.broadcast %broadcast_in_dim3A_956 : i32 to vector<16xi32>
      %gather3A_958 = arith.constant 0 : i32
      %gather3A_959 = arith.constant 0 : i32
      %gather3A_960 = arith.constant 0 : i32
      %gather3A_961 = tpu.memref_slice %arg9[%rem3A_358, %gather3A_958, %gather3A_959, %gather3A_960] : memref<3x4x32x128xf32, #tpu.memory_space<vmem>> -> memref<1x4x32x128xf32, #tpu.memory_space<vmem>>
      %gather3A_962 = tpu.memref_squeeze %gather3A_961 : memref<1x4x32x128xf32, #tpu.memory_space<vmem>> -> memref<4x32x128xf32, #tpu.memory_space<vmem>>
      %gather3A_963 = tpu.vector_load_idx %gather3A_962[%and3A_4, %broadcast_in_dim3A_957, %and3A_488] : memref<4x32x128xf32, #tpu.memory_space<vmem>>[vector<16xi32>, vector<16xi32>, vector<16xi32>], vector<16xf32>,
      %gather3A_964 = arith.constant 0 : i32
      %gather3A_965 = arith.constant 0 : i32
      %gather3A_966 = arith.constant 0 : i32
      %gather3A_967 = tpu.memref_slice %arg10[%rem3A_358, %gather3A_964, %gather3A_965, %gather3A_966] : memref<3x4x32x128xf32, #tpu.memory_space<vmem>> -> memref<1x4x32x128xf32, #tpu.memory_space<vmem>>
      %gather3A_968 = tpu.memref_squeeze %gather3A_967 : memref<1x4x32x128xf32, #tpu.memory_space<vmem>> -> memref<4x32x128xf32, #tpu.memory_space<vmem>>
      %gather3A_969 = tpu.vector_load_idx %gather3A_968[%and3A_4, %broadcast_in_dim3A_957, %and3A_491] : memref<4x32x128xf32, #tpu.memory_space<vmem>>[vector<16xi32>, vector<16xi32>, vector<16xi32>], vector<16xf32>,
      %mul3A_970 = arith.mulf %gather3A_963, %gather3A_969 : vector<16xf32>
      %add3A_971 = arith.addf %add3A_955, %mul3A_970 : vector<16xf32>
      %broadcast_in_dim3A_972 = arith.constant 30 : i32
      %broadcast_in_dim3A_973 = vector.broadcast %broadcast_in_dim3A_972 : i32 to vector<16xi32>
      %gather3A_974 = arith.constant 0 : i32
      %gather3A_975 = arith.constant 0 : i32
      %gather3A_976 = arith.constant 0 : i32
      %gather3A_977 = tpu.memref_slice %arg9[%rem3A_358, %gather3A_974, %gather3A_975, %gather3A_976] : memref<3x4x32x128xf32, #tpu.memory_space<vmem>> -> memref<1x4x32x128xf32, #tpu.memory_space<vmem>>
      %gather3A_978 = tpu.memref_squeeze %gather3A_977 : memref<1x4x32x128xf32, #tpu.memory_space<vmem>> -> memref<4x32x128xf32, #tpu.memory_space<vmem>>
      %gather3A_979 = tpu.vector_load_idx %gather3A_978[%and3A_4, %broadcast_in_dim3A_973, %and3A_488] : memref<4x32x128xf32, #tpu.memory_space<vmem>>[vector<16xi32>, vector<16xi32>, vector<16xi32>], vector<16xf32>,
      %gather3A_980 = arith.constant 0 : i32
      %gather3A_981 = arith.constant 0 : i32
      %gather3A_982 = arith.constant 0 : i32
      %gather3A_983 = tpu.memref_slice %arg10[%rem3A_358, %gather3A_980, %gather3A_981, %gather3A_982] : memref<3x4x32x128xf32, #tpu.memory_space<vmem>> -> memref<1x4x32x128xf32, #tpu.memory_space<vmem>>
      %gather3A_984 = tpu.memref_squeeze %gather3A_983 : memref<1x4x32x128xf32, #tpu.memory_space<vmem>> -> memref<4x32x128xf32, #tpu.memory_space<vmem>>
      %gather3A_985 = tpu.vector_load_idx %gather3A_984[%and3A_4, %broadcast_in_dim3A_973, %and3A_491] : memref<4x32x128xf32, #tpu.memory_space<vmem>>[vector<16xi32>, vector<16xi32>, vector<16xi32>], vector<16xf32>,
      %mul3A_986 = arith.mulf %gather3A_979, %gather3A_985 : vector<16xf32>
      %add3A_987 = arith.addf %add3A_971, %mul3A_986 : vector<16xf32>
      %broadcast_in_dim3A_988 = arith.constant 31 : i32
      %broadcast_in_dim3A_989 = vector.broadcast %broadcast_in_dim3A_988 : i32 to vector<16xi32>
      %gather3A_990 = arith.constant 0 : i32
      %gather3A_991 = arith.constant 0 : i32
      %gather3A_992 = arith.constant 0 : i32
      %gather3A_993 = tpu.memref_slice %arg9[%rem3A_358, %gather3A_990, %gather3A_991, %gather3A_992] : memref<3x4x32x128xf32, #tpu.memory_space<vmem>> -> memref<1x4x32x128xf32, #tpu.memory_space<vmem>>
      %gather3A_994 = tpu.memref_squeeze %gather3A_993 : memref<1x4x32x128xf32, #tpu.memory_space<vmem>> -> memref<4x32x128xf32, #tpu.memory_space<vmem>>
      %gather3A_995 = tpu.vector_load_idx %gather3A_994[%and3A_4, %broadcast_in_dim3A_989, %and3A_488] : memref<4x32x128xf32, #tpu.memory_space<vmem>>[vector<16xi32>, vector<16xi32>, vector<16xi32>], vector<16xf32>,
      %gather3A_996 = arith.constant 0 : i32
      %gather3A_997 = arith.constant 0 : i32
      %gather3A_998 = arith.constant 0 : i32
      %gather3A_999 = tpu.memref_slice %arg10[%rem3A_358, %gather3A_996, %gather3A_997, %gather3A_998] : memref<3x4x32x128xf32, #tpu.memory_space<vmem>> -> memref<1x4x32x128xf32, #tpu.memory_space<vmem>>
      %gather3A_1000 = tpu.memref_squeeze %gather3A_999 : memref<1x4x32x128xf32, #tpu.memory_space<vmem>> -> memref<4x32x128xf32, #tpu.memory_space<vmem>>
      %gather3A_1001 = tpu.vector_load_idx %gather3A_1000[%and3A_4, %broadcast_in_dim3A_989, %and3A_491] : memref<4x32x128xf32, #tpu.memory_space<vmem>>[vector<16xi32>, vector<16xi32>, vector<16xi32>], vector<16xf32>,
      %mul3A_1002 = arith.mulf %gather3A_995, %gather3A_1001 : vector<16xf32>
      %add3A_1003 = arith.addf %add3A_987, %mul3A_1002 : vector<16xf32>
      %mul3A_1004 = arith.constant 4 : i32
      %mul3A_1005 = arith.muli %scan3A_351, %mul3A_1004 : i32
      %swap3A = arith.index_cast %mul3A_1005 : i32 to index
      %swap3A_1006 = tpu.vector_load %arg11[%swap3A] masked %lt3A_6 {strides = array<i32>} : memref<528xf32, #tpu.memory_space<vmem>>, vector<16xf32>, vector<16xi1>
      tpu.vector_store %arg11[%swap3A], %add3A_1003 masked %lt3A_6 {strides = array<i32>} : memref<528xf32, #tpu.memory_space<vmem>>, vector<16xf32>, vector<16xi1>
    }
    %scan3A_350 = arith.constant 128 : i32
    "tpu.region"() ({
      %run_scoped3A = tpu.sem_alloc : memref<!tpu.dma_semaphore, #tpu.memory_space<semaphore_mem>>
      %dma_start3A_351 = arith.constant 0 : i32
      %dma_start3A_352 = tpu.memref_slice %arg11[%dma_start3A_351] : memref<528xf32, #tpu.memory_space<vmem>> -> memref<512xf32, #tpu.memory_space<vmem>>
      %dma_start3A_353 = tpu.memref_slice %arg6[%mul3A_2] : memref<16384xf32, #tpu.memory_space<hbm>> -> memref<512xf32, #tpu.memory_space<hbm>>
      %dma_start3A_354 = tpu.memref_slice %arg6[%mul3A_2] : memref<16384xf32, #tpu.memory_space<hbm>> -> memref<512xf32, #tpu.memory_space<hbm>>
      %dma_start3A_355 = arith.constant 0 : i32
      %dma_start3A_356 = tpu.memref_slice %arg11[%dma_start3A_355] : memref<528xf32, #tpu.memory_space<vmem>> -> memref<512xf32, #tpu.memory_space<vmem>>
      tpu.enqueue_dma source(%dma_start3A_356 : memref<512xf32, #tpu.memory_space<vmem>>) target(%dma_start3A_354 : memref<512xf32, #tpu.memory_space<hbm>>) target_semaphore(%run_scoped3A : memref<!tpu.dma_semaphore, #tpu.memory_space<semaphore_mem>>)
      %dma_wait3A = arith.constant 0 : i32
      %dma_wait3A_357 = tpu.memref_slice %arg11[%dma_wait3A] : memref<528xf32, #tpu.memory_space<vmem>> -> memref<512xf32, #tpu.memory_space<vmem>>
      %dma_wait3A_358 = tpu.memref_slice %arg6[%mul3A_2] : memref<16384xf32, #tpu.memory_space<hbm>> -> memref<512xf32, #tpu.memory_space<hbm>>
      %dma_wait3A_359 = tpu.memref_slice %arg6[%mul3A_2] : memref<16384xf32, #tpu.memory_space<hbm>> -> memref<512xf32, #tpu.memory_space<hbm>>
      %dma_wait3A_360 = arith.constant 0 : i32
      %dma_wait3A_361 = tpu.memref_slice %arg11[%dma_wait3A_360] : memref<528xf32, #tpu.memory_space<vmem>> -> memref<512xf32, #tpu.memory_space<vmem>>
      tpu.wait_dma2 semaphore(%run_scoped3A : memref<!tpu.dma_semaphore, #tpu.memory_space<semaphore_mem>>) src(%dma_wait3A_361 : memref<512xf32, #tpu.memory_space<vmem>>) dst(%dma_wait3A_359 : memref<512xf32, #tpu.memory_space<hbm>>)
      tpu.yield
    }) : () -> ()
    return
  }
}

</mosaic_0001>

<sc_bundles>
// kernel: kernel.3.cloned.1.call-start
scs
__scs_entry_jumppad:
0x0: {  	(pc) =	sbr.rel $0x88, $3  }
0x1: {  	(tag) =	ssettag $0x0;
	lr =	simm.s32 $0x1  }
0x2: {  	[smem:$0x3F9D] =	sst lr;
	_ =	strace $0xD0000000  }
0x3: {  	_ = 	snop  }
0x4: {  	_ = 	snop  }
0x5: {  	_ = 	snop  }
0x6: {  	_ = 	snop  }
0x7: {  	_ = 	snop  }
__scs_overlays_trampoline_lowered:
0x8: {  	[smem:$0x3FAC] =	sst s0  }
0x9: {  	[smem:$0x3FAD] =	sst s1  }
0xa: {  	[smem:$0x3FAE] =	sst s2  }
0xb: {  	[smem:$0x3FAF] =	sst s3  }
0xc: {  	[smem:$0x3FB0] =	sst s4  }
0xd: {  	[smem:$0x3FB1] =	sst s5  }
0xe: {  	[smem:$0x3FB2] =	sst s6  }
0xf: {  	[smem:$0x3FB3] =	sst s7  }
0x10: {  	[smem:$0x3FB4] =	sst s8  }
0x11: {  	[smem:$0x3FB5] =	sst s9;
	s0 =	simm.s32 @!p0 $0x0  }
0x12: {  	s1 =	sld [smem:$0x3F9B];
	s0 =	simm.s32 @p0 $0x1  }
0x13: {  	[smem:$0x3FB6] =	sst s0;
	s0 =	simm.s32 @!p1 $0x0  }
0x14: {  	s2 =	sld [smem:$0x3F9A];
	s0 =	simm.s32 @p1 $0x1  }
0x15: {  	[smem:$0x3FB7] =	sst s0;
	s0 =	simm.s32 @!p2 $0x0  }
0x16: {  	s3 =	sld [smem:$0x3FDB];
	s0 =	simm.s32 @p2 $0x1  }
0x17: {  	s4 =	simm.s32 $0x1BF5;
	[smem:$0x3FB9] =	sst s0  }
0x18: {  	s0 =	sld [smem:$0x3F9C];
	_ =	swait.ge [sflag:s4], $0x0  }
0x19: {  	s7 =	sld [smem:$0x3F9D]  }
0x1a: {  	s8 =	sadd.s32 $0xFFFFE003, lr  }
0x1b: {  	s9 =	sadd.s32 $0xFFFFFEF7, lr;
	s5 =	simm.s32 $0xFFFFFFFF;
	p2 =	slt.u32 s8, $0xFFFFF086  }
0x1c: {  	p1 =	slt.u32 s9, $0xF7A;
	s5 =	simm.s32 @!p2 $0x0  }
0x1d: {  	s5 =	simm.s32 @p1 $0x1;
	p0 =	seq.s32 s7, s2  }
0x1e: {  	s7 =	smul.u32 @!p0 $0xF7A, s2;
	p2 =	seq.s32 @!p0 s5, $0x0  }
0x1f: {  	s9 =	smul.u32 $0xF7A, s1;
	s8 =	simm.s32 @!p0 $0x1BF5;
	p2 =	por !p2, p0  }
0x20: {  	[sflag:s8] =	ssyncset.s32 @!p0 $0xFFFFF086;
	s6 =	sadd.s32 @!p0 s3, s7;
	s7 =	simm.s32 @!p0 $0x108  }
0x21: {  	s3 =	sadd.s32 s3, s9;
	s6 =	sadd.s32 @!p0 $0x88, s6;
	s7 =	simm.s32 @p2 $0x1082  }
0x22: {  	[simem:s7], [sflag:s8] =	dma.local @!p0 [hbm:s6], $0xF7A  }
0x23: {  	s9 =	sor.u32 $0xD0000000, s2;
	s6 =	simm.s32 $0x108;
	_ =	swait.ge @!p0 [sflag:s8], $0x0  }
0x24: {  	s3 =	sadd.s32 $0x88, s3;
	s6 =	simm.s32 @!p1 $0x1082;
	[sflag:s4] =	ssyncset.s32 $0xFFFFF086  }
0x25: {  	[simem:s6], [sflag:s4] =	dma.local [hbm:s3], $0xF7A  }
0x26: {  	[smem:$0x3F9D] =	sst s1;
	(tag) =	ssettag s2;
	_ =	strace s9  }
0x27: {  	s1 =	sld [smem:$0x3FAD]  }
0x28: {  	s2 =	sld [smem:$0x3FAE]  }
0x29: {  	s4 =	sld [smem:$0x3FB0]  }
0x2a: {  	p0 =	seq.s32 s5, $0x0;
	s5 =	sld [smem:$0x3FB1]  }
0x2b: {  	s6 =	sld [smem:$0x3FB2]  }
0x2c: {  	s7 =	sld [smem:$0x3FB3]  }
0x2d: {  	s3 =	simm.s32 $0x108;
	s8 =	sld [smem:$0x3FB4]  }
0x2e: {  	s3 =	simm.s32 @!p0 $0x1082;
	s9 =	sld [smem:$0x3FB5]  }
0x2f: {  	lr =	sadd.s32 s0, s3;
	s0 =	sld [smem:$0x3FAC]  }
0x30: {  	s3 =	sld [smem:$0x3FAF]  }
0x31: {  	[smem:$0x3FB8] =	sst s10  }
0x32: {  	s10 =	sld [smem:$0x3FB6];
	_ =	sdelay $0x3  }
0x33: {  	p0 =	seq.s32 s10, $0x1;
	s10 =	sld [smem:$0x3FB8];
	_ =	sdelay $0x3  }
0x34: {  	[smem:$0x3FB8] =	sst s10  }
0x35: {  	s10 =	sld [smem:$0x3FB7];
	_ =	sdelay $0x3  }
0x36: {  	p1 =	seq.s32 s10, $0x1;
	s10 =	sld [smem:$0x3FB8];
	_ =	sdelay $0x3  }
0x37: {  	[smem:$0x3FB8] =	sst s10  }
0x38: {  	s10 =	sld [smem:$0x3FB9]  }
0x39: {  	_ = 	snop;
	(pc) =	sbr.ind lr, $3  }
0x3a: {  	_ = 	snop  }
0x3b: {  	_ = 	snop  }
0x3c: {  	p2 =	seq.s32 s10, $0x1;
	s10 =	sld [smem:$0x3FB8]  }
0x3d: {  	_ =	shalt  }
0x3e: {  	_ =	shalt  }
0x3f: {  	_ =	shalt  }
0x40: {  	_ =	shalt  }
0x41: {  	_ =	shalt  }
0x42: {  	_ =	shalt  }
0x43: {  	_ =	shalt  }
0x44: {  	_ =	shalt  }
0x45: {  	_ =	shalt  }
0x46: {  	_ =	shalt  }
0x47: {  	_ =	shalt  }
0x48: {  	_ =	shalt  }
0x49: {  	_ =	shalt  }
0x4a: {  	_ =	shalt  }
0x4b: {  	_ =	shalt  }
0x4c: {  	_ =	shalt  }
0x4d: {  	_ =	shalt  }
0x4e: {  	_ =	shalt  }
0x4f: {  	_ =	shalt  }
0x50: {  	_ =	shalt  }
0x51: {  	_ =	shalt  }
0x52: {  	_ =	shalt  }
0x53: {  	_ =	shalt  }
0x54: {  	_ =	shalt  }
0x55: {  	_ =	shalt  }
0x56: {  	_ =	shalt  }
0x57: {  	_ =	shalt  }
0x58: {  	_ =	shalt  }
0x59: {  	_ =	shalt  }
0x5a: {  	_ =	shalt  }
0x5b: {  	_ =	shalt  }
0x5c: {  	_ =	shalt  }
0x5d: {  	_ =	shalt  }
0x5e: {  	_ =	shalt  }
0x5f: {  	_ =	shalt  }
0x60: {  	_ =	shalt  }
0x61: {  	_ =	shalt  }
0x62: {  	_ =	shalt  }
0x63: {  	_ =	shalt  }
0x64: {  	_ =	shalt  }
0x65: {  	_ =	shalt  }
0x66: {  	_ =	shalt  }
0x67: {  	_ =	shalt  }
0x68: {  	_ =	shalt  }
0x69: {  	_ =	shalt  }
0x6a: {  	_ =	shalt  }
0x6b: {  	_ =	shalt  }
0x6c: {  	_ =	shalt  }
0x6d: {  	_ =	shalt  }
0x6e: {  	_ =	shalt  }
0x6f: {  	_ =	shalt  }
0x70: {  	_ =	shalt  }
0x71: {  	_ =	shalt  }
0x72: {  	_ =	shalt  }
0x73: {  	_ =	shalt  }
0x74: {  	_ =	shalt  }
0x75: {  	_ =	shalt  }
0x76: {  	_ =	shalt  }
0x77: {  	_ =	shalt  }
0x78: {  	_ =	shalt  }
0x79: {  	_ =	shalt  }
0x7a: {  	_ =	shalt  }
0x7b: {  	_ =	shalt  }
0x7c: {  	_ =	shalt  }
0x7d: {  	_ =	shalt  }
0x7e: {  	_ =	shalt  }
0x7f: {  	_ =	shalt  }
0x80: {  	_ =	shalt  }
0x81: {  	_ =	shalt  }
0x82: {  	_ =	shalt  }
0x83: {  	_ =	shalt  }
0x84: {  	_ =	shalt  }
0x85: {  	_ =	shalt  }
0x86: {  	_ =	shalt  }
0x87: {  	_ =	shalt  }
.Lfunc_end0:
.L_simem_size_0:
called_computation_lowered:
.L_overlay_start_0:
0x88: {  	s2 =	sld [smem:$0x3FD9]  }
0x89: {  	s3 =	sld [smem:$0x3FFE];
	_ =	sdelay $0x1  }
0x8a: {  	s1 =	srdreg.scid  }
0x8b: {  	s0 =	sand.u32 $0x1, s1  }
0x8c: {  	s18 =	sshll.u32 s0, $0xA;
	s2 =	sadd.s32 s3, s2  }
0x8d: {  	s2 =	sadd.s32 s2, s18  }
0x8e: {  	[smem:$0x3FC4] =	sst s2  }
0x8f: {  	_ = 	snop  }
0x90: {  	s2 =	sld [smem:$0x3FC9]  }
0x91: {  	s19 =	sld [smem:$0x3FC8]  }
0x92: {  	s4 =	sld [smem:$0x3FC7]  }
0x93: {  	s5 =	sld [smem:$0x3FC6]  }
0x94: {  	s6 =	sld [smem:$0x3FD0];
	(tm) =	ssettm $0x1  }
0x95: {  	s7 =	sld [smem:$0x3FFB];
	_ =	sdelay $0x3  }
0x96: {  	_ =	strace s7  }
0x97: {  	s7 =	sld [smem:$0x3FFC];
	_ =	sdelay $0x3  }
0x98: {  	_ =	strace s7  }
0x99: {  	s7 =	sld [smem:$0x3FFD];
	_ =	sdelay $0x3  }
0x9a: {  	_ =	strace s7  }
0x9b: {  	_ =	strace $0x8FFFFFFF  }
0x9c: {  	s20 =	sld [smem:$0x3FDB];
	_ =	sdelay $0x1  }
0x9d: {  	s8 =	simm.s32 $_scs_section_size  }
0x9e: {  	s9 =	simm.s32 $_size__tile_overlayer_lowered;
	s10 =	simm.s32 $_tile_overlayer_lowered  }
0x9f: {  	s23 =	simm.s32 $0x1BFF;
	s22 =	sshll.u32 s10, $0x1;
	s7 =	sadd.s32 s8, s20  }
0xa0: {  	s11 =	simm.s32 $0x0;
	s21 =	sshll.u32 s9, $0x1;
	s9 =	sadd.s32 s22, s7  }
0xa1: {  	[timem:s11], [sflag:s23] =	dma.local [hbm:s9], s21  }
0xa2: {  	_ =	swait.ge [sflag:s23], s21  }
0xa3: {  	s8 =	ssub.s32 $0x0, s21;
	[sflag:s23] =	ssyncset.done $0x0  }
0xa4: {  	[sflag:s23] =	ssyncadd.s32 s8;
	_ =	sdelay $0x1  }
0xa5: {  	s24 =	simm.s32 $0x1B8B  }
0xa6: {  	_ =	swait.ge [sflag:s24], $0x1  }
0xa7: {  	[sflag:s24] =	ssyncset.done $0x0  }
0xa8: {  	s25 =	simm.s32 $0x1B8E;
	[sflag:s24] =	ssyncadd.s32 $0xFFFFFFFF  }
0xa9: {  	s26 =	simm.s32 $execute0_lowered;
	[smem:$0x3FD2] =	sst s25  }
0xaa: {  	s8 =	sshll.u32 s26, $0x1;
	_ =	strace $0x80000046;
	[dreg:$0x1] =	wrdreg $0xFFFFFFFF  }
0xab: {  	s28 =	simm.s32 $_size_execute0_lowered;
	s7 =	sadd.s32 s7, s8;
	[dreg:$0x0] =	wrdreg $0x0  }
0xac: {  	s8 =	sshll.u32 s28, $0x1;
	[dreg:$0x2] =	wrdreg s7  }
0xad: {  	[dreg:$0x3] =	wrdreg s8  }
0xae: {  	[dreg:$0x4] =	wrdreg $0xC0  }
0xaf: {  	_ =	task [dreg:s11], $0x5FFFF  }
0xb0: {  	[dreg:$0x1] =	wrdreg $0xFFFFFFFF  }
0xb1: {  	[dreg:$0x0] =	wrdreg $0x60  }
0xb2: {  	[dreg:$0x2] =	wrdreg s2  }
0xb3: {  	[dreg:$0x3] =	wrdreg s19  }
0xb4: {  	[dreg:$0x4] =	wrdreg s4  }
0xb5: {  	[dreg:$0x5] =	wrdreg s5  }
0xb6: {  	[dreg:$0x6] =	wrdreg s6  }
0xb7: {  	[dreg:$0x7] =	wrdreg $0x9  }
0xb8: {  	_ =	task.clear_ibuf [dreg:s11], $0x8FFFF;
	_ =	strace $0x90000046  }
0xb9: {  	s29 =	simm.s32 $0x9;
	_ =	strace $0x80000048  }
0xba: {  	_ =	swait.ge [sflag:s29], $0x1  }
0xbb: {  	[sflag:s29] =	ssyncadd.s32 $0xFFFFFFFF  }
0xbc: {  	_ =	strace $0x90000048  }
0xbd: {  	_ =	sfence  }
0xbe: {  	s30 =	sld [smem:$0x0];
	_ =	sdelay $0x2  }
0xbf: {  	s31 =	sshll.u32 s1, $0xD;
	s1 =	sshrl.u32 s1, $0x2  }
0xc0: {  	s3 =	sand.u32 $0x4000, s31;
	s1 =	sadd.s32 s1, s30  }
0xc1: {  	s0 =	sor.u32 s3, s0;
	s1 =	sshll.u32 s1, $0x11  }
0xc2: {  	s0 =	sor.u32 s1, s0  }
0xc3: {  	s0 =	sadd.s32 $0x8F2B, s0  }
0xc4: {  	[sflag:s0] =	ssyncadd.remote.s32 $0x1  }
0xc5: {  	_ =	sfence.sel $0xFFFF  }
0xc6: {  	[dreg:$0x0] =	wrdreg $0xFFFFFFFF;
	(pc) =	sbr.abs _section_cstart, $3  }
0xc7: {  	[dreg:$0x1] =	wrdreg $0xFFFFFFFF  }
0xc8: {  	_ =	task.clear_ibuf [dreg:s11], $0x2FFFF;
	_ =	strace $0x9FFFFFFF  }
0xc9: {  	(tm) =	ssettm $0x7FFFFFFF  }
tec
execute0_lowered:
.L_overlay_start_1:
0x0: {  	(tag) =	ssettag $0x1  }
0x1: {  	s0 =	rddreg [dreg:$0x0]  }
0x2: {  	s3 =	rddreg [dreg:$0x1];
	v0 =	vlaneseq.u32  }
0x3: {  	s1 =	rddreg [dreg:$0x2];
	v0 =	vand.u32 $0x3, v0  }
0x4: {  	s2 =	rddreg [dreg:$0x3];
	s4 =	simm.s32 $0x0;
	v2 =	vmul.u32 $0x1000, v0  }
0x5: {  	[smem:$0x7FF] =	sst s4  }
0x6: {  	s7 =	rddreg [dreg:$0x4];
	_ =	strace $0x80000047;
	v4 =	vor.u32 $0x100, v2;
	[tilespmem:$0x1FF20] =	vst v2  }
0x7: {  	v5 =	vor.u32 $0x180, v2;
	[tilespmem:$0x1FF30] =	vst v4  }
0x8: {  	v3 =	vor.u32 $0x80, v2;
	[tilespmem:$0x1FF40] =	vst v5  }
0x9: {  	v8 =	vor.u32 $0x300, v2;
	[tilespmem:$0x1FF50] =	vst v3  }
0xa: {  	v7 =	vor.u32 $0x280, v2;
	[tilespmem:$0x1FF60] =	vst v8  }
0xb: {  	v6 =	vor.u32 $0x200, v2;
	v9 =	vor.u32 $0x380, v2;
	[tilespmem:$0x1FF70] =	vst v7  }
0xc: {  	v28 =	vor.u32 $0x400, v2;
	v11 =	vor.u32 $0x480, v2;
	v10 =	vor.u32 $0x600, v2;
	[tilespmem:$0x1FF80] =	vst v6  }
0xd: {  	s5 =	srdreg.scid;
	s11 =	simm.s32 $0x7A1400;
	v56 =	vor.u32 $0x500, v2;
	v13 =	vor.u32 $0x580, v2;
	v15 =	vor.u32 $0x680, v2;
	[tilespmem:$0x1FF90] =	vst v10  }
0xe: {  	s8 =	stileid.u32;
	s12 =	simm.s32 $0x400;
	s5 =	sand.u32 $0x1, s5;
	v29 =	vor.u32 $0x700, v2;
	v14 =	vor.u32 $0x780, v2;
	v0 =	vor.u32 $0xD80, v2;
	[tilespmem:$0x1FFA0] =	vst v56  }
0xf: {  	s8 =	sshll.u32 s8, $0x7;
	s6 =	ssub.s32 $0x2, s5;
	s5 =	sshll.u32 s5, $0x6;
	v16 =	vor.u32 $0x800, v2;
	v17 =	vor.u32 $0x880, v2;
	v1 =	vor.u32 $0xE00, v2;
	[tilespmem:$0x1FFB0] =	vst v0  }
0x10: {  	s30 =	simm.s32 $0x1;
	s9 =	sshrl.u32 s6, $0x1;
	s8 =	sor.u32 s5, s8;
	v18 =	vor.u32 $0x900, v2;
	v19 =	vor.u32 $0x980, v2;
	v27 =	vor.u32 $0xE80, v2;
	[tilespmem:$0x1FFC0] =	vst v1  }
0x11: {  	s31 =	simm.s32 $0x2;
	s9 =	ssub.s32 s6, s9;
	s0 =	sadd.s32 s0, s8;
	v20 =	vor.u32 $0xA00, v2;
	v50 =	vor.u32 $0xA80, v2;
	v23 =	vor.u32 $0xF00, v2;
	[tilespmem:$0x1FFD0] =	vst v27  }
0x12: {  	s6 =	sadd.s32 s3, s8;
	s7 =	sadd.s32 s7, s8;
	v12 =	vor.u32 $0xB00, v2;
	v24 =	vor.u32 $0xB80, v2;
	v31 =	vor.u32 $0xF80, v2;
	s3 =	simm.s32 $0x0;
	[tilespmem:$0x1FFE0] =	vst v23  }
0x13: {  	v25 =	vor.u32 $0xC00, v2;
	v26 =	vor.u32 $0xC80, v2;
	v30 =	vor.u32 $0xD00, v2;
	[dreg:$0x6] =	wrdreg s0;
	s8 =	smax.u32 s9, $0x1;
	s9 =	simm.s32 $0x3;
	[tilespmem:$0x1FFF0] =	vst v31  }
.LBB2_1:
0x14: {  	s0 =	rddreg [dreg:$0x6]  }
0x15: {  	[tilespmem:s4], [sflag:$0x3] =	stream.linear.gather [hbm4b:s0+s4], $0x200, $0x38;
	[tilespmem:$0x18780] =	vst v63  }
0x16: {  	_ =	swait.ge [sflag:s9], $0x200  }
0x17: {  	[sflag:s9] =	ssyncset.done $0x0  }
0x18: {  	s29 =	simm.s32 $0x280;
	[sflag:s9] =	ssyncadd.s32 $0xFFFFFE00  }
0x19: {  	[tilespmem:s29], [sflag:$0x3] =	stream.linear.gather [hbm4b:s6+s4], $0x200, $0x38;
	[tilespmem:$0x18780] =	vst v63  }
0x1a: {  	_ =	swait.ge [sflag:s9], $0x200  }
0x1b: {  	[sflag:s9] =	ssyncset.done $0x0  }
0x1c: {  	[sflag:s9] =	ssyncadd.s32 $0xFFFFFE00  }
0x1d: {  	v32 =	vld [tilespmem:$0x0];
	_ =	sdelay $0x1  }
0x1e: {  	v33 =	vld [tilespmem:$0x280];
	_ =	sdelay $0x2  }
0x1f: {  	(v2sf) =	vpush v32, $0x0;
	_ =	sdelay $0x1  }
0x20: {  	(v2sf) =	vpush v33, $0x0;
	_ =	sdelay $0x1  }
0x21: {  	(v2sf) =	vpush v32, $0x1;
	_ =	sdelay $0x2  }
0x22: {  	(v2sf) =	vpush v33, $0x1;
	_ =	sdelay $0x7  }
0x23: {  	s10 =	spop (v2sf);
	(v2sf) =	vpush v32, $0x2;
	_ =	sdelay $0x1  }
0x24: {  	s13 =	spop (v2sf);
	(v2sf) =	vpush v33, $0x2  }
0x25: {  	s10 =	sand.u32 $0xFFFFF80, s10  }
0x26: {  	s5 =	simm.s32 $0x500;
	s10 =	sadd.s32 s1, s10;
	s15 =	spop (v2sf)  }
0x27: {  	(v2sf) =	vpush v32, $0x3;
	[tilespmem:s5], [sflag:$0x1] =	stream.strided.gather [hbm4b:s10+s12], $0x1000, s11, s12, $0x38;
	[tilespmem:$0x18780] =	vst v63  }
0x28: {  	s10 =	sand.u32 $0xFFFFF80, s13  }
0x29: {  	s14 =	simm.s32 $0xC500;
	s17 =	spop (v2sf);
	s10 =	sadd.s32 s2, s10  }
0x2a: {  	(v2sf) =	vpush v33, $0x3;
	[tilespmem:s14], [sflag:$0x2] =	stream.strided.gather [hbm4b:s10+s12], $0x1000, s11, s12, $0x38;
	[tilespmem:$0x18780] =	vst v63  }
0x2b: {  	s10 =	sand.u32 $0xFFFFF80, s15  }
0x2c: {  	s16 =	simm.s32 $0x1500;
	s10 =	sadd.s32 s1, s10  }
0x2d: {  	[tilespmem:s16], [sflag:$0x1] =	stream.strided.gather [hbm4b:s10+s12], $0x1000, s11, s12, $0x38;
	[tilespmem:$0x18780] =	vst v63  }
0x2e: {  	s10 =	sand.u32 $0xFFFFF80, s17  }
0x2f: {  	s18 =	simm.s32 $0xD500;
	s10 =	sadd.s32 s2, s10  }
0x30: {  	[tilespmem:s18], [sflag:$0x2] =	stream.strided.gather [hbm4b:s10+s12], $0x1000, s11, s12, $0x38;
	[tilespmem:$0x18780] =	vst v63  }
0x31: {  	s19 =	spop (v2sf)  }
0x32: {  	s10 =	sand.u32 $0xFFFFF80, s19  }
0x33: {  	s20 =	simm.s32 $0x2500;
	s21 =	spop (v2sf);
	s10 =	sadd.s32 s1, s10  }
0x34: {  	[tilespmem:s20], [sflag:$0x1] =	stream.strided.gather [hbm4b:s10+s12], $0x1000, s11, s12, $0x38;
	[tilespmem:$0x18780] =	vst v63  }
0x35: {  	s10 =	sand.u32 $0xFFFFF80, s21  }
0x36: {  	s22 =	simm.s32 $0xE500;
	s23 =	spop (v2sf);
	s10 =	sadd.s32 s2, s10  }
0x37: {  	[tilespmem:s22], [sflag:$0x2] =	stream.strided.gather [hbm4b:s10+s12], $0x1000, s11, s12, $0x38;
	[tilespmem:$0x18780] =	vst v63  }
0x38: {  	s10 =	sand.u32 $0xFFFFF80, s23  }
0x39: {  	s24 =	simm.s32 $0x3500;
	s25 =	spop (v2sf);
	s10 =	sadd.s32 s1, s10  }
0x3a: {  	[tilespmem:s24], [sflag:$0x1] =	stream.strided.gather [hbm4b:s10+s12], $0x1000, s11, s12, $0x38;
	[tilespmem:$0x18780] =	vst v63  }
0x3b: {  	s10 =	sand.u32 $0xFFFFF80, s25  }
0x3c: {  	s26 =	simm.s32 $0xF500;
	s10 =	sadd.s32 s2, s10  }
0x3d: {  	[tilespmem:s26], [sflag:$0x2] =	stream.strided.gather [hbm4b:s10+s12], $0x1000, s11, s12, $0x38;
	[tilespmem:$0x18780] =	vst v63  }
0x3e: {  	v58 =	vld [tilespmem:$0x4];
	_ =	sdelay $0x1  }
0x3f: {  	v59 =	vld [tilespmem:$0x284];
	_ =	sdelay $0x2  }
0x40: {  	(v2sf) =	vpush v58, $0x0;
	_ =	sdelay $0x1  }
0x41: {  	(v2sf) =	vpush v59, $0x0;
	_ =	sdelay $0x1  }
0x42: {  	(v2sf) =	vpush v58, $0x1;
	_ =	sdelay $0x2  }
0x43: {  	(v2sf) =	vpush v59, $0x1;
	_ =	sdelay $0x7  }
0x44: {  	s28 =	spop (v2sf);
	(v2sf) =	vpush v58, $0x2;
	_ =	sdelay $0x1  }
0x45: {  	s0 =	spop (v2sf);
	(v2sf) =	vpush v59, $0x2  }
0x46: {  	s10 =	sand.u32 $0xFFFFF80, s28  }
0x47: {  	s29 =	simm.s32 $0x4500;
	s10 =	sadd.s32 s1, s10;
	s13 =	spop (v2sf)  }
0x48: {  	(v2sf) =	vpush v58, $0x3;
	[tilespmem:s29], [sflag:$0x1] =	stream.strided.gather [hbm4b:s10+s12], $0x1000, s11, s12, $0x38;
	[tilespmem:$0x18780] =	vst v63  }
0x49: {  	s10 =	sand.u32 $0xFFFFF80, s0  }
0x4a: {  	s5 =	simm.s32 $0x10500;
	s15 =	spop (v2sf);
	s10 =	sadd.s32 s2, s10  }
0x4b: {  	(v2sf) =	vpush v59, $0x3;
	[tilespmem:s5], [sflag:$0x2] =	stream.strided.gather [hbm4b:s10+s12], $0x1000, s11, s12, $0x38;
	[tilespmem:$0x18780] =	vst v63  }
0x4c: {  	s10 =	sand.u32 $0xFFFFF80, s13  }
0x4d: {  	s14 =	simm.s32 $0x5500;
	s10 =	sadd.s32 s1, s10  }
0x4e: {  	[tilespmem:s14], [sflag:$0x1] =	stream.strided.gather [hbm4b:s10+s12], $0x1000, s11, s12, $0x38;
	[tilespmem:$0x18780] =	vst v63  }
0x4f: {  	s10 =	sand.u32 $0xFFFFF80, s15  }
0x50: {  	s16 =	simm.s32 $0x11500;
	s10 =	sadd.s32 s2, s10  }
0x51: {  	[tilespmem:s16], [sflag:$0x2] =	stream.strided.gather [hbm4b:s10+s12], $0x1000, s11, s12, $0x38;
	[tilespmem:$0x18780] =	vst v63  }
0x52: {  	s17 =	spop (v2sf)  }
0x53: {  	s10 =	sand.u32 $0xFFFFF80, s17  }
0x54: {  	s18 =	simm.s32 $0x6500;
	s19 =	spop (v2sf);
	s10 =	sadd.s32 s1, s10  }
0x55: {  	[tilespmem:s18], [sflag:$0x1] =	stream.strided.gather [hbm4b:s10+s12], $0x1000, s11, s12, $0x38;
	[tilespmem:$0x18780] =	vst v63  }
0x56: {  	s10 =	sand.u32 $0xFFFFF80, s19  }
0x57: {  	s20 =	simm.s32 $0x12500;
	s21 =	spop (v2sf);
	s10 =	sadd.s32 s2, s10  }
0x58: {  	[tilespmem:s20], [sflag:$0x2] =	stream.strided.gather [hbm4b:s10+s12], $0x1000, s11, s12, $0x38;
	[tilespmem:$0x18780] =	vst v63  }
0x59: {  	s10 =	sand.u32 $0xFFFFF80, s21  }
0x5a: {  	s22 =	simm.s32 $0x7500;
	s23 =	spop (v2sf);
	s10 =	sadd.s32 s1, s10  }
0x5b: {  	[tilespmem:s22], [sflag:$0x1] =	stream.strided.gather [hbm4b:s10+s12], $0x1000, s11, s12, $0x38;
	[tilespmem:$0x18780] =	vst v63  }
0x5c: {  	s10 =	sand.u32 $0xFFFFF80, s23  }
0x5d: {  	s24 =	simm.s32 $0x13500;
	s10 =	sadd.s32 s2, s10  }
0x5e: {  	[tilespmem:s24], [sflag:$0x2] =	stream.strided.gather [hbm4b:s10+s12], $0x1000, s11, s12, $0x38;
	[tilespmem:$0x18780] =	vst v63  }
0x5f: {  	p0 =	por $0x0, $0x0;
	s10 =	simm.s32 $0x8  }
0x60: {  	v32 =	vld @!p0 [tilespmem:s10+$0x0];
	_ =	sdelay $0x2  }
0x61: {  	s13 =	simm.s32 $0x288  }
0x62: {  	v33 =	vld @!p0 [tilespmem:s13+$0x0]  }
0x63: {  	(v2sf) =	vpush @!p0 v32, $0x0;
	_ =	sdelay $0x3  }
0x64: {  	(v2sf) =	vpush @!p0 v33, $0x0;
	_ =	sdelay $0x1  }
0x65: {  	s14 =	simm.s32 @!p0 $0x2  }
0x66: {  	s14 =	smul.u32 @!p0 $0xAB, s14  }
0x67: {  	(v2sf) =	vpush @!p0 v32, $0x1  }
0x68: {  	s14 =	sshrl.u32 @!p0 s14, $0x9  }
0x69: {  	s14 =	sand.u32 @!p0 $0x7F, s14  }
0x6a: {  	s14 =	smul.u32 @!p0 $0x3, s14  }
0x6b: {  	(v2sf) =	vpush @!p0 v33, $0x1  }
0x6c: {  	s14 =	ssub.s32 @!p0 $0x2, s14  }
0x6d: {  	s14 =	sand.u32 @!p0 $0xFF, s14  }
0x6e: {  	s14 =	sshll.u32 @!p0 s14, $0xE;
	s15 =	spop @!p0 (v2sf)  }
0x6f: {  	s17 =	simm.s32 @!p0 $0x7A1400;
	(v2sf) =	vpush @!p0 v32, $0x2;
	s15 =	sand.u32 @!p0 $0xFFFFF80, s15  }
0x70: {  	s16 =	sor.u32 @!p0 $0x500, s14;
	s18 =	simm.s32 @!p0 $0x400;
	s15 =	sadd.s32 @!p0 s1, s15  }
0x71: {  	[tilespmem:s16], [sflag:$0x1] =	stream.strided.gather @!p0 [hbm4b:s15+s18], $0x1000, s17, s18, $0x38;
	[tilespmem:$0x18780] =	vst v63  }
0x72: {  	s15 =	spop @!p0 (v2sf)  }
0x73: {  	(v2sf) =	vpush @!p0 v33, $0x2;
	s15 =	sand.u32 @!p0 $0xFFFFF80, s15  }
0x74: {  	s16 =	sadd.s32 @!p0 $0xC500, s14;
	s15 =	sadd.s32 @!p0 s2, s15  }
0x75: {  	[tilespmem:s16], [sflag:$0x2] =	stream.strided.gather @!p0 [hbm4b:s15+s18], $0x1000, s17, s18, $0x38;
	[tilespmem:$0x18780] =	vst v63  }
0x76: {  	s15 =	spop @!p0 (v2sf)  }
0x77: {  	(v2sf) =	vpush @!p0 v32, $0x3;
	s15 =	sand.u32 @!p0 $0xFFFFF80, s15  }
0x78: {  	s16 =	sor.u32 @!p0 $0x1500, s14;
	s15 =	sadd.s32 @!p0 s1, s15  }
0x79: {  	[tilespmem:s16], [sflag:$0x1] =	stream.strided.gather @!p0 [hbm4b:s15+s18], $0x1000, s17, s18, $0x38;
	[tilespmem:$0x18780] =	vst v63  }
0x7a: {  	s15 =	spop @!p0 (v2sf)  }
0x7b: {  	(v2sf) =	vpush @!p0 v33, $0x3;
	s15 =	sand.u32 @!p0 $0xFFFFF80, s15  }
0x7c: {  	s16 =	sadd.s32 @!p0 $0xD500, s14;
	s15 =	sadd.s32 @!p0 s2, s15  }
0x7d: {  	[tilespmem:s16], [sflag:$0x2] =	stream.strided.gather @!p0 [hbm4b:s15+s18], $0x1000, s17, s18, $0x38;
	[tilespmem:$0x18780] =	vst v63  }
0x7e: {  	s15 =	spop @!p0 (v2sf)  }
0x7f: {  	s15 =	sand.u32 @!p0 $0xFFFFF80, s15  }
0x80: {  	s16 =	sor.u32 @!p0 $0x2500, s14;
	s15 =	sadd.s32 @!p0 s1, s15  }
0x81: {  	[tilespmem:s16], [sflag:$0x1] =	stream.strided.gather @!p0 [hbm4b:s15+s18], $0x1000, s17, s18, $0x38;
	[tilespmem:$0x18780] =	vst v63  }
0x82: {  	s15 =	spop @!p0 (v2sf)  }
0x83: {  	s15 =	sand.u32 @!p0 $0xFFFFF80, s15  }
0x84: {  	s16 =	sadd.s32 @!p0 $0xE500, s14;
	s15 =	sadd.s32 @!p0 s2, s15  }
0x85: {  	[tilespmem:s16], [sflag:$0x2] =	stream.strided.gather @!p0 [hbm4b:s15+s18], $0x1000, s17, s18, $0x38;
	[tilespmem:$0x18780] =	vst v63  }
0x86: {  	s15 =	spop @!p0 (v2sf)  }
0x87: {  	s15 =	sand.u32 @!p0 $0xFFFFF80, s15  }
0x88: {  	s16 =	sor.u32 @!p0 $0x3500, s14;
	s15 =	sadd.s32 @!p0 s1, s15  }
0x89: {  	[tilespmem:s16], [sflag:$0x1] =	stream.strided.gather @!p0 [hbm4b:s15+s18], $0x1000, s17, s18, $0x38;
	[tilespmem:$0x18780] =	vst v63  }
0x8a: {  	s15 =	spop @!p0 (v2sf)  }
0x8b: {  	s15 =	sand.u32 @!p0 $0xFFFFF80, s15  }
0x8c: {  	s14 =	sadd.s32 @!p0 $0xF500, s14;
	s15 =	sadd.s32 @!p0 s2, s15  }
0x8d: {  	[tilespmem:s14], [sflag:$0x2] =	stream.strided.gather @!p0 [hbm4b:s15+s18], $0x1000, s17, s18, $0x38;
	[tilespmem:$0x18780] =	vst v63  }
0x8e: {  	_ =	swait.ge [sflag:s30], $0x1000  }
0x8f: {  	[sflag:s30] =	ssyncset.done $0x0  }
0x90: {  	[sflag:s30] =	ssyncadd.s32 $0xFFFFF000  }
0x91: {  	_ =	swait.ge [sflag:s31], $0x1000  }
0x92: {  	[sflag:s31] =	ssyncset.done $0x0  }
0x93: {  	[sflag:s31] =	ssyncadd.s32 $0xFFFFF000  }
0x94: {  	_ =	swait.ge [sflag:s30], $0x1000  }
0x95: {  	[sflag:s30] =	ssyncset.done $0x0  }
0x96: {  	[sflag:s30] =	ssyncadd.s32 $0xFFFFF000  }
0x97: {  	_ =	swait.ge [sflag:s31], $0x1000  }
0x98: {  	[sflag:s31] =	ssyncset.done $0x0  }
0x99: {  	[sflag:s31] =	ssyncadd.s32 $0xFFFFF000  }
0x9a: {  	_ =	swait.ge [sflag:s30], $0x1000  }
0x9b: {  	[sflag:s30] =	ssyncset.done $0x0  }
0x9c: {  	[sflag:s30] =	ssyncadd.s32 $0xFFFFF000  }
0x9d: {  	_ =	swait.ge [sflag:s31], $0x1000  }
0x9e: {  	[sflag:s31] =	ssyncset.done $0x0  }
0x9f: {  	[sflag:s31] =	ssyncadd.s32 $0xFFFFF000  }
0xa0: {  	_ =	swait.ge [sflag:s30], $0x1000  }
0xa1: {  	[sflag:s30] =	ssyncset.done $0x0  }
0xa2: {  	[sflag:s30] =	ssyncadd.s32 $0xFFFFF000  }
0xa3: {  	_ =	swait.ge [sflag:s31], $0x1000  }
0xa4: {  	[sflag:s31] =	ssyncset.done $0x0  }
0xa5: {  	[sflag:s31] =	ssyncadd.s32 $0xFFFFF000  }
0xa6: {  	v60 =	vld [tilespmem:s10+$0xFFFFFFF8]  }
0xa7: {  	s25 =	smul.u32 $0xAB, s4;
	v61 =	vld [tilespmem:s13+$0xFFFFFFF8];
	_ =	sdelay $0x1  }
0xa8: {  	s26 =	sshrl.u32 s25, $0x9  }
0xa9: {  	s13 =	sand.u32 $0x7F, s26  }
0xaa: {  	s13 =	smul.u32 $0x3, s13;
	v32 =	vand.u32 $0x7F, v60  }
0xab: {  	v33 =	vand.u32 $0x7F, v61;
	v34 =	vor.u32 v2, v32  }
0xac: {  	s13 =	ssub.s32 $0x0, s13;
	v35 =	vor.u32 v2, v33  }
0xad: {  	s13 =	sand.u32 $0xFF, s13;
	v36 =	vor.u32 v3, v33  }
0xae: {  	s28 =	sshll.u32 s13, $0xE;
	v37 =	vor.u32 v3, v32  }
0xaf: {  	v38 =	vor.u32 v4, v33;
	s29 =	sor.u32 $0x500, s28  }
0xb0: {  	v39 =	vor.u32 v4, v32;
	v34 =	vld.idx.msk [tilespmem:v34+s29+$0x0], $0xffff  }
0xb1: {  	v40 =	vor.u32 v5, v33;
	v35 =	vld.idx.msk [tilespmem:v35+s28+$0xC500], $0xffff  }
0xb2: {  	v41 =	vor.u32 v5, v32;
	v36 =	vld.idx.msk [tilespmem:v36+s28+$0xC500], $0xffff  }
0xb3: {  	v42 =	vor.u32 v6, v33;
	v37 =	vld.idx.msk [tilespmem:v37+s29+$0x0], $0xffff  }
0xb4: {  	v43 =	vor.u32 v6, v32;
	v38 =	vld.idx.msk [tilespmem:v38+s28+$0xC500], $0xffff  }
0xb5: {  	v44 =	vor.u32 v7, v33;
	v39 =	vld.idx.msk [tilespmem:v39+s29+$0x0], $0xffff  }
0xb6: {  	v45 =	vor.u32 v7, v32;
	v40 =	vld.idx.msk [tilespmem:v40+s28+$0xC500], $0xffff;
	v34 =	vmul.f32 v35, v34  }
0xb7: {  	v46 =	vor.u32 v8, v32;
	v41 =	vld.idx.msk [tilespmem:v41+s29+$0x0], $0xffff  }
0xb8: {  	v62 =	vor.u32 v8, v33;
	v42 =	vld.idx.msk [tilespmem:v42+s28+$0xC500], $0xffff;
	v36 =	vmul.f32 v36, v37;
	v34 =	vadd.f32 $0.0e+00, v34  }
0xb9: {  	v63 =	vor.u32 v9, v33;
	v43 =	vld.idx.msk [tilespmem:v43+s29+$0x0], $0xffff  }
0xba: {  	v48 =	vor.u32 v9, v32;
	v44 =	vld.idx.msk [tilespmem:v44+s28+$0xC500], $0xffff;
	v38 =	vmul.f32 v38, v39;
	v34 =	vadd.f32 v36, v34  }
0xbb: {  	v49 =	vor.u32 v28, v33;
	v45 =	vld.idx.msk [tilespmem:v45+s29+$0x0], $0xffff  }
0xbc: {  	v51 =	vor.u32 v28, v32;
	v46 =	vld.idx.msk [tilespmem:v46+s29+$0x0], $0xffff;
	v40 =	vmul.f32 v40, v41;
	v34 =	vadd.f32 v38, v34  }
0xbd: {  	v52 =	vor.u32 v11, v33;
	v35 =	vld.idx.msk [tilespmem:v62+s28+$0xC500], $0xffff  }
0xbe: {  	v53 =	vor.u32 v11, v32;
	v37 =	vld.idx.msk [tilespmem:v63+s28+$0xC500], $0xffff;
	v42 =	vmul.f32 v42, v43;
	v34 =	vadd.f32 v40, v34  }
0xbf: {  	v54 =	vor.u32 v56, v33;
	v36 =	vld.idx.msk [tilespmem:v48+s29+$0x0], $0xffff  }
0xc0: {  	v55 =	vor.u32 v56, v32;
	v39 =	vld.idx.msk [tilespmem:v49+s28+$0xC500], $0xffff;
	v44 =	vmul.f32 v44, v45;
	v34 =	vadd.f32 v42, v34  }
0xc1: {  	v57 =	vor.u32 v13, v33;
	v38 =	vld.idx.msk [tilespmem:v51+s29+$0x0], $0xffff  }
0xc2: {  	v58 =	vor.u32 v13, v32;
	v41 =	vld.idx.msk [tilespmem:v52+s28+$0xC500], $0xffff;
	v35 =	vmul.f32 v35, v46;
	v34 =	vadd.f32 v44, v34  }
0xc3: {  	v59 =	vor.u32 v10, v33;
	v40 =	vld.idx.msk [tilespmem:v53+s29+$0x0], $0xffff  }
0xc4: {  	v60 =	vor.u32 v10, v32;
	v43 =	vld.idx.msk [tilespmem:v54+s28+$0xC500], $0xffff;
	v36 =	vmul.f32 v37, v36;
	v34 =	vadd.f32 v35, v34  }
0xc5: {  	v61 =	vor.u32 v15, v33;
	v42 =	vld.idx.msk [tilespmem:v55+s29+$0x0], $0xffff  }
0xc6: {  	v62 =	vor.u32 v15, v32;
	v45 =	vld.idx.msk [tilespmem:v57+s28+$0xC500], $0xffff;
	v38 =	vmul.f32 v39, v38;
	v34 =	vadd.f32 v36, v34  }
0xc7: {  	v63 =	vor.u32 v29, v33;
	v44 =	vld.idx.msk [tilespmem:v58+s29+$0x0], $0xffff  }
0xc8: {  	v48 =	vor.u32 v29, v32;
	v46 =	vld.idx.msk [tilespmem:v59+s28+$0xC500], $0xffff;
	v40 =	vmul.f32 v41, v40;
	v34 =	vadd.f32 v38, v34  }
0xc9: {  	v49 =	vor.u32 v14, v33;
	v35 =	vld.idx.msk [tilespmem:v60+s29+$0x0], $0xffff  }
0xca: {  	v51 =	vor.u32 v14, v32;
	v37 =	vld.idx.msk [tilespmem:v61+s28+$0xC500], $0xffff;
	v42 =	vmul.f32 v43, v42;
	v34 =	vadd.f32 v40, v34  }
0xcb: {  	v52 =	vor.u32 v16, v33;
	v36 =	vld.idx.msk [tilespmem:v62+s29+$0x0], $0xffff  }
0xcc: {  	v53 =	vor.u32 v16, v32;
	v39 =	vld.idx.msk [tilespmem:v63+s28+$0xC500], $0xffff;
	v44 =	vmul.f32 v45, v44;
	v34 =	vadd.f32 v42, v34  }
0xcd: {  	v54 =	vor.u32 v17, v33;
	v38 =	vld.idx.msk [tilespmem:v48+s29+$0x0], $0xffff  }
0xce: {  	v55 =	vor.u32 v17, v32;
	v41 =	vld.idx.msk [tilespmem:v49+s28+$0xC500], $0xffff;
	v35 =	vmul.f32 v46, v35;
	v34 =	vadd.f32 v44, v34  }
0xcf: {  	v57 =	vor.u32 v18, v33;
	v40 =	vld.idx.msk [tilespmem:v51+s29+$0x0], $0xffff  }
0xd0: {  	v58 =	vor.u32 v18, v32;
	v43 =	vld.idx.msk [tilespmem:v52+s28+$0xC500], $0xffff;
	v36 =	vmul.f32 v37, v36;
	v34 =	vadd.f32 v35, v34  }
0xd1: {  	v59 =	vor.u32 v19, v33;
	v42 =	vld.idx.msk [tilespmem:v53+s29+$0x0], $0xffff  }
0xd2: {  	v60 =	vor.u32 v19, v32;
	v45 =	vld.idx.msk [tilespmem:v54+s28+$0xC500], $0xffff;
	v38 =	vmul.f32 v39, v38;
	v34 =	vadd.f32 v36, v34  }
0xd3: {  	v61 =	vor.u32 v20, v33;
	v44 =	vld.idx.msk [tilespmem:v55+s29+$0x0], $0xffff  }
0xd4: {  	v62 =	vor.u32 v20, v32;
	v46 =	vld.idx.msk [tilespmem:v57+s28+$0xC500], $0xffff;
	v40 =	vmul.f32 v41, v40;
	v34 =	vadd.f32 v38, v34  }
0xd5: {  	v63 =	vor.u32 v50, v33;
	v35 =	vld.idx.msk [tilespmem:v58+s29+$0x0], $0xffff  }
0xd6: {  	v48 =	vor.u32 v50, v32;
	v37 =	vld.idx.msk [tilespmem:v59+s28+$0xC500], $0xffff;
	v42 =	vmul.f32 v43, v42;
	v34 =	vadd.f32 v40, v34  }
0xd7: {  	v49 =	vor.u32 v12, v33;
	v36 =	vld.idx.msk [tilespmem:v60+s29+$0x0], $0xffff  }
0xd8: {  	v51 =	vor.u32 v12, v32;
	v39 =	vld.idx.msk [tilespmem:v61+s28+$0xC500], $0xffff;
	v44 =	vmul.f32 v45, v44;
	v34 =	vadd.f32 v42, v34  }
0xd9: {  	v52 =	vor.u32 v24, v33;
	v38 =	vld.idx.msk [tilespmem:v62+s29+$0x0], $0xffff  }
0xda: {  	v53 =	vor.u32 v24, v32;
	v41 =	vld.idx.msk [tilespmem:v63+s28+$0xC500], $0xffff;
	v35 =	vmul.f32 v46, v35;
	v34 =	vadd.f32 v44, v34  }
0xdb: {  	v54 =	vor.u32 v25, v33;
	v40 =	vld.idx.msk [tilespmem:v48+s29+$0x0], $0xffff  }
0xdc: {  	v55 =	vor.u32 v25, v32;
	v43 =	vld.idx.msk [tilespmem:v49+s28+$0xC500], $0xffff;
	v36 =	vmul.f32 v37, v36;
	v34 =	vadd.f32 v35, v34  }
0xdd: {  	v57 =	vor.u32 v26, v33;
	v42 =	vld.idx.msk [tilespmem:v51+s29+$0x0], $0xffff  }
0xde: {  	v58 =	vor.u32 v26, v32;
	v45 =	vld.idx.msk [tilespmem:v52+s28+$0xC500], $0xffff;
	v38 =	vmul.f32 v39, v38;
	v34 =	vadd.f32 v36, v34  }
0xdf: {  	v59 =	vor.u32 v30, v33;
	v44 =	vld.idx.msk [tilespmem:v53+s29+$0x0], $0xffff  }
0xe0: {  	v60 =	vor.u32 v30, v32;
	v46 =	vld.idx.msk [tilespmem:v54+s28+$0xC500], $0xffff;
	v40 =	vmul.f32 v41, v40;
	v34 =	vadd.f32 v38, v34  }
0xe1: {  	v61 =	vor.u32 v0, v33;
	v35 =	vld.idx.msk [tilespmem:v55+s29+$0x0], $0xffff  }
0xe2: {  	v62 =	vor.u32 v0, v32;
	v37 =	vld.idx.msk [tilespmem:v57+s28+$0xC500], $0xffff;
	v42 =	vmul.f32 v43, v42;
	v34 =	vadd.f32 v40, v34  }
0xe3: {  	v63 =	vor.u32 v1, v33;
	v36 =	vld.idx.msk [tilespmem:v58+s29+$0x0], $0xffff  }
0xe4: {  	v48 =	vor.u32 v1, v32;
	v39 =	vld.idx.msk [tilespmem:v59+s28+$0xC500], $0xffff;
	v44 =	vmul.f32 v45, v44;
	v34 =	vadd.f32 v42, v34  }
0xe5: {  	v51 =	vor.u32 v27, v32;
	v38 =	vld.idx.msk [tilespmem:v60+s29+$0x0], $0xffff  }
0xe6: {  	v49 =	vor.u32 v27, v33;
	v41 =	vld.idx.msk [tilespmem:v61+s28+$0xC500], $0xffff;
	v35 =	vmul.f32 v46, v35;
	v34 =	vadd.f32 v44, v34  }
0xe7: {  	v52 =	vor.u32 v23, v33;
	v40 =	vld.idx.msk [tilespmem:v62+s29+$0x0], $0xffff  }
0xe8: {  	v54 =	vor.u32 v23, v32;
	v55 =	vld.idx.msk [tilespmem:v63+s28+$0xC500], $0xffff;
	v53 =	vmul.f32 v37, v36;
	v34 =	vadd.f32 v35, v34  }
0xe9: {  	v33 =	vor.u32 v31, v33;
	v42 =	vld.idx.msk [tilespmem:v48+s29+$0x0], $0xffff  }
0xea: {  	v32 =	vor.u32 v31, v32;
	v59 =	vld.idx.msk [tilespmem:v51+s29+$0x0], $0xffff;
	v57 =	vmul.f32 v39, v38;
	v34 =	vadd.f32 v53, v34  }
0xeb: {  	v58 =	vld.idx.msk [tilespmem:v49+s28+$0xC500], $0xffff  }
0xec: {  	v61 =	vld.idx.msk [tilespmem:v52+s28+$0xC500], $0xffff;
	v60 =	vmul.f32 v41, v40;
	v34 =	vadd.f32 v57, v34  }
0xed: {  	v36 =	vld.idx.msk [tilespmem:v54+s29+$0x0], $0xffff  }
0xee: {  	v33 =	vld.idx.msk [tilespmem:v33+s28+$0xC500], $0xffff;
	v62 =	vmul.f32 v55, v42;
	v34 =	vadd.f32 v60, v34  }
0xef: {  	v32 =	vld.idx.msk [tilespmem:v32+s29+$0x0], $0xffff  }
0xf0: {  	v63 =	vmul.f32 v58, v59;
	v34 =	vadd.f32 v62, v34  }
0xf1: {  	s16 =	simm.s32 $0x18500  }
0xf2: {  	s15 =	simm.s32 $0x28C;
	s14 =	simm.s32 $0x18500;
	s13 =	simm.s32 $0x1;
	v35 =	vmul.f32 v61, v36;
	v34 =	vadd.f32 v63, v34  }
.LBB2_2:
0xf3: {  	_ = 	snop  }
0xf4: {  	v34 =	vadd.f32 v35, v34;
	v32 =	vmul.f32 v33, v32;
	_ =	sdelay $0x1  }
0xf5: {  	v32 =	vadd.f32 v32, v34  }
0xf6: {  	s17 =	smov.u32 s13  }
0xf7: {  	s10 =	sadd.s32 $0x4, s10;
	p1 =	sgt.u32 s17, $0x7D;
	[tilespmem:s14+$0x0] =	vst.msk $0xf, v32  }
0xf8: {  	v32 =	vld @!p1 [tilespmem:s10+$0x0]  }
0xf9: {  	v33 =	vld @!p1 [tilespmem:s15+$0x0];
	_ =	sdelay $0x3  }
0xfa: {  	(v2sf) =	vpush @!p1 v32, $0x0  }
0xfb: {  	(v2sf) =	vpush @!p1 v33, $0x0  }
0xfc: {  	(v2sf) =	vpush @!p1 v32, $0x1;
	_ =	sdelay $0x1  }
0xfd: {  	s18 =	sadd.s32 @!p1 $0x2, s17;
	(v2sf) =	vpush @!p1 v33, $0x1  }
0xfe: {  	s19 =	smul.u32 @!p1 $0xAB, s18  }
0xff: {  	(v2sf) =	vpush @!p1 v32, $0x2  }
0x100: {  	s19 =	sshrl.u32 @!p1 s19, $0x9  }
0x101: {  	s19 =	sand.u32 @!p1 $0x7F, s19;
	(v2sf) =	vpush @!p1 v33, $0x2  }
0x102: {  	s19 =	smul.u32 @!p1 $0x3, s19  }
0x103: {  	(v2sf) =	vpush @!p1 v32, $0x3  }
0x104: {  	s18 =	ssub.s32 @!p1 s18, s19  }
0x105: {  	s18 =	sand.u32 @!p1 $0xFF, s18;
	(v2sf) =	vpush @!p1 v33, $0x3  }
0x106: {  	s26 =	simm.s32 @!p1 $0x7A1400;
	s29 =	simm.s32 @!p1 $0x400;
	s18 =	sshll.u32 @!p1 s18, $0xE  }
0x107: {  	s21 =	sor.u32 @!p1 $0x500, s18;
	s22 =	sadd.s32 @!p1 $0xC500, s18;
	s23 =	sor.u32 @!p1 $0x1500, s18  }
0x108: {  	s24 =	sadd.s32 @!p1 $0xD500, s18;
	s25 =	sor.u32 @!p1 $0x2500, s18;
	s28 =	spop @!p1 (v2sf)  }
0x109: {  	s20 =	sadd.s32 @!p1 $0xE500, s18;
	s28 =	sand.u32 @!p1 $0xFFFFF80, s28;
	s0 =	spop @!p1 (v2sf)  }
0x10a: {  	s28 =	sadd.s32 @!p1 s1, s28;
	s0 =	sand.u32 @!p1 $0xFFFFF80, s0;
	s5 =	spop @!p1 (v2sf)  }
0x10b: {  	[tilespmem:s21], [sflag:$0x1] =	stream.strided.gather @!p1 [hbm4b:s28+s29], $0x1000, s26, s29, $0x38;
	[tilespmem:$0x18780] =	vst v63  }
0x10c: {  	s0 =	sadd.s32 @!p1 s2, s0;
	s5 =	sand.u32 @!p1 $0xFFFFF80, s5;
	s21 =	spop @!p1 (v2sf)  }
0x10d: {  	[tilespmem:s22], [sflag:$0x2] =	stream.strided.gather @!p1 [hbm4b:s0+s29], $0x1000, s26, s29, $0x38;
	[tilespmem:$0x18780] =	vst v63  }
0x10e: {  	s0 =	sadd.s32 @!p1 s1, s5;
	s5 =	sand.u32 @!p1 $0xFFFFF80, s21;
	s21 =	spop @!p1 (v2sf)  }
0x10f: {  	[tilespmem:s23], [sflag:$0x1] =	stream.strided.gather @!p1 [hbm4b:s0+s29], $0x1000, s26, s29, $0x38;
	[tilespmem:$0x18780] =	vst v63  }
0x110: {  	s0 =	sadd.s32 @!p1 s2, s5;
	s5 =	sand.u32 @!p1 $0xFFFFF80, s21;
	s21 =	spop @!p1 (v2sf)  }
0x111: {  	[tilespmem:s24], [sflag:$0x2] =	stream.strided.gather @!p1 [hbm4b:s0+s29], $0x1000, s26, s29, $0x38;
	[tilespmem:$0x18780] =	vst v63  }
0x112: {  	s0 =	sadd.s32 @!p1 s1, s5;
	s5 =	sand.u32 @!p1 $0xFFFFF80, s21;
	s21 =	spop @!p1 (v2sf)  }
0x113: {  	[tilespmem:s25], [sflag:$0x1] =	stream.strided.gather @!p1 [hbm4b:s0+s29], $0x1000, s26, s29, $0x38;
	[tilespmem:$0x18780] =	vst v63  }
0x114: {  	s0 =	sadd.s32 @!p1 s2, s5;
	s5 =	sand.u32 @!p1 $0xFFFFF80, s21;
	s21 =	spop @!p1 (v2sf)  }
0x115: {  	[tilespmem:s20], [sflag:$0x2] =	stream.strided.gather @!p1 [hbm4b:s0+s29], $0x1000, s26, s29, $0x38;
	[tilespmem:$0x18780] =	vst v63  }
0x116: {  	s19 =	sor.u32 @!p1 $0x3500, s18;
	s0 =	sadd.s32 @!p1 s1, s5;
	s5 =	sand.u32 @!p1 $0xFFFFF80, s21  }
0x117: {  	[tilespmem:s19], [sflag:$0x1] =	stream.strided.gather @!p1 [hbm4b:s0+s29], $0x1000, s26, s29, $0x38;
	[tilespmem:$0x18780] =	vst v63  }
0x118: {  	s18 =	sadd.s32 @!p1 $0xF500, s18;
	s0 =	sadd.s32 @!p1 s2, s5  }
0x119: {  	[tilespmem:s18], [sflag:$0x2] =	stream.strided.gather @!p1 [hbm4b:s0+s29], $0x1000, s26, s29, $0x38;
	[tilespmem:$0x18780] =	vst v63  }
0x11a: {  	_ =	swait.ge [sflag:s30], $0x1000  }
0x11b: {  	[sflag:s30] =	ssyncset.done $0x0  }
0x11c: {  	[sflag:s30] =	ssyncadd.s32 $0xFFFFF000  }
0x11d: {  	_ =	swait.ge [sflag:s31], $0x1000  }
0x11e: {  	[sflag:s31] =	ssyncset.done $0x0  }
0x11f: {  	[sflag:s31] =	ssyncadd.s32 $0xFFFFF000  }
0x120: {  	_ =	swait.ge [sflag:s30], $0x1000  }
0x121: {  	[sflag:s30] =	ssyncset.done $0x0  }
0x122: {  	[sflag:s30] =	ssyncadd.s32 $0xFFFFF000  }
0x123: {  	_ =	swait.ge [sflag:s31], $0x1000  }
0x124: {  	[sflag:s31] =	ssyncset.done $0x0  }
0x125: {  	[sflag:s31] =	ssyncadd.s32 $0xFFFFF000  }
0x126: {  	_ =	swait.ge [sflag:s30], $0x1000  }
0x127: {  	[sflag:s30] =	ssyncset.done $0x0  }
0x128: {  	[sflag:s30] =	ssyncadd.s32 $0xFFFFF000  }
0x129: {  	_ =	swait.ge [sflag:s31], $0x1000  }
0x12a: {  	[sflag:s31] =	ssyncset.done $0x0  }
0x12b: {  	[sflag:s31] =	ssyncadd.s32 $0xFFFFF000  }
0x12c: {  	_ =	swait.ge [sflag:s30], $0x1000  }
0x12d: {  	[sflag:s30] =	ssyncset.done $0x0  }
0x12e: {  	[sflag:s30] =	ssyncadd.s32 $0xFFFFF000  }
0x12f: {  	_ =	swait.ge [sflag:s31], $0x1000  }
0x130: {  	[sflag:s31] =	ssyncset.done $0x0  }
0x131: {  	[sflag:s31] =	ssyncadd.s32 $0xFFFFF000  }
0x132: {  	v60 =	vld [tilespmem:s10+$0xFFFFFFF8]  }
0x133: {  	s26 =	smul.u32 $0xAB, s17;
	v61 =	vld [tilespmem:s15+$0xFFFFFFF8];
	_ =	sdelay $0x1  }
0x134: {  	s0 =	sshrl.u32 s26, $0x9  }
0x135: {  	s0 =	sand.u32 $0x7F, s0  }
0x136: {  	s0 =	smul.u32 $0x3, s0;
	v32 =	vand.u32 $0x7F, v60  }
0x137: {  	v34 =	vand.u32 $0x7F, v61;
	v62 =	vor.u32 v2, v32  }
0x138: {  	s0 =	ssub.s32 s17, s0;
	v36 =	vor.u32 v2, v34  }
0x139: {  	s0 =	sand.u32 $0xFF, s0;
	v37 =	vor.u32 v3, v34  }
0x13a: {  	s28 =	sshll.u32 s0, $0xE;
	v63 =	vor.u32 v3, v32  }
0x13b: {  	s29 =	sor.u32 $0x500, s28;
	v38 =	vor.u32 v4, v34  }
0x13c: {  	v39 =	vor.u32 v4, v32;
	v33 =	vld.idx.msk [tilespmem:v62+s29+$0x0], $0xffff  }
0x13d: {  	v41 =	vor.u32 v5, v34;
	v36 =	vld.idx.msk [tilespmem:v36+s28+$0xC500], $0xffff  }
0x13e: {  	v40 =	vor.u32 v5, v32;
	v37 =	vld.idx.msk [tilespmem:v37+s28+$0xC500], $0xffff  }
0x13f: {  	v43 =	vor.u32 v6, v34;
	v35 =	vld.idx.msk [tilespmem:v63+s29+$0x0], $0xffff  }
0x140: {  	v42 =	vor.u32 v6, v32;
	v38 =	vld.idx.msk [tilespmem:v38+s28+$0xC500], $0xffff  }
0x141: {  	v39 =	vld.idx.msk [tilespmem:v39+s29+$0x0], $0xffff  }
0x142: {  	v41 =	vld.idx.msk [tilespmem:v41+s28+$0xC500], $0xffff;
	v33 =	vmul.f32 v36, v33  }
0x143: {  	v36 =	vld.idx.msk [tilespmem:v40+s29+$0x0], $0xffff  }
0x144: {  	v43 =	vld.idx.msk [tilespmem:v43+s28+$0xC500], $0xffff;
	v35 =	vmul.f32 v37, v35;
	v33 =	vadd.f32 $0.0e+00, v33  }
0x145: {  	v48 =	vor.u32 v9, v32;
	v37 =	vld.idx.msk [tilespmem:v42+s29+$0x0], $0xffff  }
0x146: {  	v0 =	vor.u32 v28, v34;
	v33 =	vadd.f32 v35, v33;
	v35 =	vmul.f32 v38, v39;
	_ =	sdelay $0x1  }
0x147: {  	v33 =	vadd.f32 v35, v33;
	v35 =	vmul.f32 v41, v36;
	_ =	sdelay $0x1  }
0x148: {  	v33 =	vadd.f32 v35, v33;
	v35 =	vmul.f32 v43, v37;
	v37 =	vld.idx.msk [tilespmem:v48+s29+$0x0], $0xffff  }
0x149: {  	v48 =	vld.idx.msk [tilespmem:v0+s28+$0xC500], $0xffff;
	v0 =	vor.u32 v30, v32  }
0x14a: {  	v44 =	vor.u32 v7, v34;
	[tilespmem:$0x1FEE0] =	vst v0;
	v0 =	vld [tilespmem:$0x1FFB0]  }
0x14b: {  	v45 =	vor.u32 v7, v32  }
0x14c: {  	v47 =	vor.u32 v8, v34;
	_ =	sdelay $0x2  }
0x14d: {  	v44 =	vld.idx.msk [tilespmem:v44+s28+$0xC500], $0xffff;
	v22 =	vor.u32 v0, v32  }
0x14e: {  	v46 =	vor.u32 v8, v32;
	v38 =	vld.idx.msk [tilespmem:v45+s29+$0x0], $0xffff  }
0x14f: {  	v49 =	vor.u32 v9, v34;
	v51 =	vor.u32 v28, v32;
	v39 =	vor.u32 v12, v34;
	v45 =	vld.idx.msk [tilespmem:v47+s28+$0xC500], $0xffff  }
0x150: {  	v47 =	vor.u32 v12, v32;
	[tilespmem:$0x1FEF0] =	vst v22;
	v22 =	vmov v12;
	v12 =	vor.u32 v0, v34;
	v0 =	vld [tilespmem:$0x1FFC0];
	_ =	sdelay $0x1  }
0x151: {  	v53 =	vor.u32 v11, v34  }
0x152: {  	v52 =	vor.u32 v11, v32;
	v54 =	vor.u32 v56, v32;
	v36 =	vld.idx.msk [tilespmem:v46+s29+$0x0], $0xffff  }
0x153: {  	v55 =	vor.u32 v56, v34;
	v56 =	vor.u32 v13, v34;
	v57 =	vor.u32 v13, v32;
	v46 =	vld.idx.msk [tilespmem:v49+s28+$0xC500], $0xffff  }
0x154: {  	v38 =	vmul.f32 v44, v38;
	v44 =	vld.idx.msk [tilespmem:v51+s29+$0x0], $0xffff;
	v51 =	vor.u32 v0, v34;
	v0 =	vor.u32 v0, v32  }
0x155: {  	v58 =	vor.u32 v10, v32;
	v59 =	vor.u32 v10, v34;
	v35 =	vadd.f32 v35, v33;
	[tilespmem:$0x1FF00] =	vst v0;
	v0 =	vld [tilespmem:$0x1FFD0]  }
0x156: {  	v60 =	vor.u32 v15, v32;
	v61 =	vor.u32 v15, v34;
	v2 =	vor.u32 v14, v32;
	v53 =	vld.idx.msk [tilespmem:v53+s28+$0xC500], $0xffff  }
0x157: {  	v1 =	vor.u32 v14, v34;
	v36 =	vmul.f32 v45, v36;
	v35 =	vadd.f32 v38, v35;
	v38 =	vld.idx.msk [tilespmem:v52+s29+$0x0], $0xffff  }
0x158: {  	v5 =	vor.u32 v16, v32;
	v3 =	vor.u32 v16, v34;
	v4 =	vor.u32 v17, v34;
	v52 =	vld.idx.msk [tilespmem:v55+s28+$0xC500], $0xffff  }
0x159: {  	v6 =	vor.u32 v18, v34;
	v35 =	vadd.f32 v36, v35;
	v36 =	vmul.f32 v46, v37;
	v37 =	vld.idx.msk [tilespmem:v54+s29+$0x0], $0xffff  }
0x15a: {  	v7 =	vor.u32 v18, v32;
	v10 =	vor.u32 v19, v32;
	v46 =	vld.idx.msk [tilespmem:v56+s28+$0xC500], $0xffff;
	v33 =	vor.u32 v0, v32  }
0x15b: {  	v8 =	vor.u32 v19, v34;
	v27 =	vor.u32 v20, v32;
	[tilespmem:$0x1FF10] =	vst v33;
	v33 =	vor.u32 v0, v34;
	v0 =	vld [tilespmem:$0x1FFE0]  }
0x15c: {  	v21 =	vor.u32 v50, v32;
	v56 =	vmul.f32 v48, v44;
	v44 =	vld.idx.msk [tilespmem:v57+s29+$0x0], $0xffff;
	v35 =	vadd.f32 v36, v35  }
0x15d: {  	[tilespmem:$0x1FEB0] =	vst v21;
	v21 =	vor.u32 v24, v32;
	v62 =	vor.u32 v29, v34;
	v48 =	vld.idx.msk [tilespmem:v59+s28+$0xC500], $0xffff  }
0x15e: {  	v63 =	vor.u32 v29, v32;
	v59 =	vmul.f32 v53, v38;
	v38 =	vld.idx.msk [tilespmem:v58+s29+$0x0], $0xffff;
	v35 =	vadd.f32 v56, v35  }
0x15f: {  	[tilespmem:$0x1FEC0] =	vst v21;
	v21 =	vor.u32 v26, v32;
	v53 =	vld.idx.msk [tilespmem:v61+s28+$0xC500], $0xffff;
	v61 =	vmul.f32 v52, v37  }
0x160: {  	v35 =	vadd.f32 v59, v35;
	v45 =	vor.u32 v0, v34;
	v55 =	vor.u32 v0, v32;
	v0 =	vld [tilespmem:$0x1FFF0]  }
0x161: {  	v23 =	vmov v29;
	v31 =	vor.u32 v24, v34;
	[tilespmem:$0x1FED0] =	vst v21;
	v21 =	vor.u32 v26, v34;
	v56 =	vld.idx.msk [tilespmem:v60+s29+$0x0], $0xffff  }
0x162: {  	v29 =	vor.u32 v50, v34;
	v57 =	vld.idx.msk [tilespmem:v62+s28+$0xC500], $0xffff;
	v58 =	vmul.f32 v46, v44;
	v35 =	vadd.f32 v61, v35  }
0x163: {  	v40 =	vor.u32 v17, v32;
	v42 =	vor.u32 v20, v34;
	v41 =	vor.u32 v25, v34;
	v59 =	vld.idx.msk [tilespmem:v63+s29+$0x0], $0xffff  }
0x164: {  	v1 =	vld.idx.msk [tilespmem:v1+s28+$0xC500], $0xffff;
	v49 =	vor.u32 v25, v32;
	v60 =	vmul.f32 v48, v38;
	v35 =	vadd.f32 v58, v35  }
0x165: {  	v43 =	vor.u32 v30, v34;
	v32 =	vor.u32 v0, v32;
	v34 =	vor.u32 v0, v34;
	v0 =	vld.idx.msk [tilespmem:v2+s29+$0x0], $0xffff  }
0x166: {  	v3 =	vld.idx.msk [tilespmem:v3+s28+$0xC500], $0xffff;
	v61 =	vmul.f32 v53, v56;
	v35 =	vadd.f32 v60, v35  }
0x167: {  	v2 =	vld.idx.msk [tilespmem:v5+s29+$0x0], $0xffff  }
0x168: {  	v4 =	vld.idx.msk [tilespmem:v4+s28+$0xC500], $0xffff;
	v62 =	vmul.f32 v57, v59;
	v35 =	vadd.f32 v61, v35  }
0x169: {  	v63 =	vld.idx.msk [tilespmem:v40+s29+$0x0], $0xffff  }
0x16a: {  	v35 =	vadd.f32 v62, v35;
	v5 =	vld.idx.msk [tilespmem:v6+s28+$0xC500], $0xffff;
	v0 =	vmul.f32 v1, v0  }
0x16b: {  	v1 =	vld.idx.msk [tilespmem:v7+s29+$0x0], $0xffff  }
0x16c: {  	v6 =	vld.idx.msk [tilespmem:v8+s28+$0xC500], $0xffff;
	v2 =	vmul.f32 v3, v2;
	v0 =	vadd.f32 v0, v35  }
0x16d: {  	v3 =	vld.idx.msk [tilespmem:v10+s29+$0x0], $0xffff  }
0x16e: {  	v7 =	vld.idx.msk [tilespmem:v42+s28+$0xC500], $0xffff;
	v0 =	vadd.f32 v2, v0;
	v2 =	vmul.f32 v4, v63  }
0x16f: {  	v4 =	vld.idx.msk [tilespmem:v27+s29+$0x0], $0xffff  }
0x170: {  	v1 =	vmul.f32 v5, v1;
	v0 =	vadd.f32 v2, v0;
	v2 =	vld [tilespmem:$0x1FEB0];
	_ =	sdelay $0x1  }
0x171: {  	v0 =	vadd.f32 v1, v0;
	v1 =	vmul.f32 v6, v3;
	_ =	sdelay $0x1  }
0x172: {  	v0 =	vadd.f32 v1, v0;
	v1 =	vmul.f32 v7, v4;
	v4 =	vld [tilespmem:$0x1FEC0];
	_ =	sdelay $0x2  }
0x173: {  	v8 =	vld.idx.msk [tilespmem:v29+s28+$0xC500], $0xffff  }
0x174: {  	v2 =	vld.idx.msk [tilespmem:v2+s29+$0x0], $0xffff  }
0x175: {  	v5 =	vld.idx.msk [tilespmem:v39+s28+$0xC500], $0xffff  }
0x176: {  	v3 =	vld.idx.msk [tilespmem:v47+s29+$0x0], $0xffff  }
0x177: {  	v6 =	vld.idx.msk [tilespmem:v31+s28+$0xC500], $0xffff  }
0x178: {  	v4 =	vld.idx.msk [tilespmem:v4+s29+$0x0], $0xffff  }
0x179: {  	v0 =	vadd.f32 v1, v0;
	v1 =	vmul.f32 v8, v2  }
0x17a: {  	v7 =	vld.idx.msk [tilespmem:v41+s28+$0xC500], $0xffff  }
0x17b: {  	v0 =	vadd.f32 v1, v0;
	v1 =	vmul.f32 v5, v3;
	v3 =	vld [tilespmem:$0x1FED0]  }
0x17c: {  	v2 =	vld.idx.msk [tilespmem:v49+s29+$0x0], $0xffff  }
0x17d: {  	v0 =	vadd.f32 v1, v0;
	v1 =	vmul.f32 v6, v4;
	v4 =	vld [tilespmem:$0x1FEE0];
	_ =	sdelay $0x2  }
0x17e: {  	v56 =	vld [tilespmem:$0x1FFA0]  }
0x17f: {  	v0 =	vadd.f32 v1, v0;
	v1 =	vmul.f32 v7, v2;
	v2 =	vld [tilespmem:$0x1FEF0]  }
0x180: {  	v8 =	vld.idx.msk [tilespmem:v21+s28+$0xC500], $0xffff  }
0x181: {  	v3 =	vld.idx.msk [tilespmem:v3+s29+$0x0], $0xffff  }
0x182: {  	v5 =	vld.idx.msk [tilespmem:v43+s28+$0xC500], $0xffff  }
0x183: {  	v4 =	vld.idx.msk [tilespmem:v4+s29+$0x0], $0xffff  }
0x184: {  	v10 =	vld [tilespmem:$0x1FF90]  }
0x185: {  	v6 =	vld.idx.msk [tilespmem:v12+s28+$0xC500], $0xffff  }
0x186: {  	v0 =	vadd.f32 v1, v0;
	v1 =	vmul.f32 v8, v3;
	v3 =	vld [tilespmem:$0x1FF00]  }
0x187: {  	v2 =	vld.idx.msk [tilespmem:v2+s29+$0x0], $0xffff  }
0x188: {  	v0 =	vadd.f32 v1, v0;
	v1 =	vmul.f32 v5, v4;
	v4 =	vld [tilespmem:$0x1FF10]  }
0x189: {  	v32 =	vld.idx.msk [tilespmem:v32+s29+$0x0], $0xffff  }
0x18a: {  	v7 =	vld.idx.msk [tilespmem:v51+s28+$0xC500], $0xffff  }
0x18b: {  	v8 =	vld.idx.msk [tilespmem:v33+s28+$0xC500], $0xffff  }
0x18c: {  	v5 =	vld.idx.msk [tilespmem:v45+s28+$0xC500], $0xffff  }
0x18d: {  	v0 =	vadd.f32 v1, v0;
	v1 =	vmul.f32 v6, v2;
	v2 =	vld.idx.msk [tilespmem:v55+s29+$0x0], $0xffff  }
0x18e: {  	v3 =	vld.idx.msk [tilespmem:v3+s29+$0x0], $0xffff  }
0x18f: {  	v33 =	vld.idx.msk [tilespmem:v34+s28+$0xC500], $0xffff  }
0x190: {  	v4 =	vld.idx.msk [tilespmem:v4+s29+$0x0], $0xffff  }
0x191: {  	s13 =	sadd.s32 $0x1, s13;
	v6 =	vld [tilespmem:$0x1FF80]  }
0x192: {  	p0 =	sne.s32 s13, $0x80;
	v35 =	vmul.f32 v5, v2;
	v5 =	vld [tilespmem:$0x1FF40]  }
.Ltmp0:
0x193: {  	v0 =	vadd.f32 v1, v0;
	v2 =	vld [tilespmem:$0x1FF20];
	v1 =	vmul.f32 v7, v3;
	(pc) =	sbr.rel @p0 .LBB2_2-.Ltmp0, $4  }
0x194: {  	v7 =	vld [tilespmem:$0x1FF70]  }
0x195: {  	v3 =	vld [tilespmem:$0x1FF50];
	v0 =	vadd.f32 v1, v0;
	v1 =	vmul.f32 v8, v4  }
0x196: {  	s16 =	sadd.s32 $0x4, s16;
	v8 =	vld [tilespmem:$0x1FF60]  }
0x197: {  	s14 =	smov.u32 s16;
	s15 =	sadd.s32 $0x4, s15;
	v29 =	vmov v23;
	v12 =	vmov v22;
	v4 =	vld [tilespmem:$0x1FF30];
	v34 =	vadd.f32 v1, v0  }
0x198: {  	_ = 	snop  }
0x199: {  	v1 =	vmul.f32 v33, v32;
	v0 =	vadd.f32 v35, v34;
	_ =	sdelay $0x1  }
0x19a: {  	v0 =	vadd.f32 v1, v0;
	_ =	sdelay $0x1  }
0x19b: {  	s0 =	simm.s32 $0x18500;
	s3 =	sadd.s32 $0x1, s3;
	[tilespmem:s14+$0x0] =	vst.msk $0xf, v0  }
0x19c: {  	[hbm4b:s7+s4] =	stream.linear.scatter [tilespmem:s0], [sflag:$0x3], $0x200, $0x38;
	[tilespmem:$0x18780] =	vst v63  }
0x19d: {  	p0 =	sne.s32 s3, s8;
	_ =	swait.ge [sflag:s9], $0x200  }
.Ltmp1:
0x19e: {  	v0 =	vld [tilespmem:$0x1FFB0];
	(pc) =	sbr.rel @p0 .LBB2_1-.Ltmp1, $4  }
0x19f: {  	v1 =	vld [tilespmem:$0x1FFC0]  }
0x1a0: {  	v27 =	vld [tilespmem:$0x1FFD0]  }
0x1a1: {  	[sflag:s9] =	ssyncset.done $0x0;
	v23 =	vld [tilespmem:$0x1FFE0]  }
0x1a2: {  	v31 =	vld [tilespmem:$0x1FFF0];
	[sflag:s9] =	ssyncadd.s32 $0xFFFFFE00  }
0x1a3: {  	_ =	sfence.sel $0x180000  }
0x1a4: {  	[bflag:$0x0] =	sbarrier.arrive $0xFFFF  }
0x1a5: {  	_ =	strace $0x90000047  }
0x1a6: {  	s0 =	stileid.u32;
	[bflag:$0x2] =	sbarrier.arrive $0xFFFF  }
0x1a7: {  	p0 =	sne.s32 s0, $0x0;
	s0 =	rddreg [dreg:$0x5]  }
0x1a8: {  	s0 =	sadd.s32 @!p0 $0x100000, s0  }
0x1a9: {  	[sflag:s0] =	ssyncadd.tile.s32 @!p0 $0x1;
	_ =	shalt  }
.Lfunc_end2:
_tile_overlayer_lowered:
.L_overlay_start_2:
0x1aa: {  	(tag) =	ssettag $0x2  }
0x1ab: {  	s0 =	rddreg [dreg:$0x0];
	s2 =	stileid.u32  }
0x1ac: {  	s1 =	rddreg [dreg:$0x1];
	p0 =	sne.s32 s2, $0x0  }
0x1ad: {  	s3 =	rddreg [dreg:$0x2];
	[bflag:$0x3] =	sbarrier.arrive $0xFFFF;
	s2 =	simm.s32 @!p0 $0x1C03  }
0x1ae: {  	[timem:s3], [sflag:s2] =	dma.local @!p0 [hbm:s0], s1  }
0x1af: {  	s0 =	simm.s32 @!p0 $0x3  }
0x1b0: {  	_ =	swait.ge @!p0 [sflag:s0], s1  }
0x1b1: {  	s1 =	ssub.s32 @!p0 $0x0, s1;
	[sflag:s0] =	ssyncset.done @!p0 $0x0  }
0x1b2: {  	[sflag:s0] =	ssyncadd.s32 @!p0 s1  }
0x1b3: {  	[bflag:$0x3] =	sbarrier.arrive $0xFFFF  }
0x1b4: {  	_ =	shalt  }

</sc_bundles>
